<compile_context>
chip_gen: v7x
topology: tpu7x:2x2x1
jax: 0.10.2.dev20260603
libtpu: 0.0.44.dev20260713+nightly
codegen_flags: <defaults>
</compile_context>

<pallas_src>
import jax
import jax.numpy as jnp
from jax import lax
from jax.experimental import pallas as pl
from jax.experimental.pallas import tpu as pltpu
from jax.experimental.pallas import tpu_sc as plsc

D = 768
M = 64
B = 16
K = 2
EPS = 1e-8
LAMBDA = 1.0

TN = 256
MP = 128


def _stage_a(xf_ref, v_ref, e_ref, vnb_ref):
    pid = pl.program_id(0)

    @pl.when(pid == 0)
    def _():
        v2 = v_ref[...]
        rv = 1.0 / jnp.maximum(
            jnp.sqrt(jnp.sum(v2 * v2, axis=0, keepdims=True)), EPS)
        vnb_ref[...] = (v2 * rv).astype(jnp.bfloat16)

    xt = xf_ref[...]
    xn = xt / jnp.maximum(jnp.sqrt(jnp.sum(xt * xt, axis=1, keepdims=True)), EPS)
    h = jnp.dot(xn.astype(jnp.bfloat16), vnb_ref[...],
                preferred_element_type=jnp.float32)
    jj = jax.lax.broadcasted_iota(jnp.int32, (M * B, M), 0) // B
    mcol = jax.lax.broadcasted_iota(jnp.int32, (M * B, M), 1)
    S = (jj == mcol).astype(jnp.bfloat16)
    h2 = h * h
    h2a = h2.astype(jnp.bfloat16)
    r1 = h2 - h2a.astype(jnp.float32)
    h2b = r1.astype(jnp.bfloat16)
    h2c = (r1 - h2b.astype(jnp.float32)).astype(jnp.bfloat16)
    dn = (((0,), (1,)), ((), ()))
    e_ref[...] = (
        jax.lax.dot_general(S, h2a, dn, preferred_element_type=jnp.float32)
        + jax.lax.dot_general(S, h2b, dn, preferred_element_type=jnp.float32)
        + jax.lax.dot_general(S, h2c, dn, preferred_element_type=jnp.float32))


def _sc_top2(energy_hbm, mask_hbm, e_v, m_v):
    info = plsc.get_sparse_core_info()
    nc = info.num_cores
    wid = lax.axis_index("s") * nc + lax.axis_index("c")
    rows = 128
    nw = 2048 // rows
    base = wid * rows

    @pl.when(wid < nw)
    def _():
        pltpu.sync_copy(energy_hbm.at[:, pl.ds(base, rows)], e_v)
        iota = jax.lax.broadcasted_iota(jnp.int32, (16,), 0)
        for c in range(rows // 16):
            def mbody(m, carry):
                vmax, idx1, vmax2, idx2 = carry
                em = e_v[m, pl.ds(16 * c, 16)]
                t2v = jnp.where(em > vmax2, em, vmax2)
                t2i = jnp.where(em > vmax2, m, idx2)
                nvmax2 = jnp.where(em > vmax, vmax, t2v)
                nidx2 = jnp.where(em > vmax, idx1, t2i)
                nvmax = jnp.where(em > vmax, em, vmax)
                nidx1 = jnp.where(em > vmax, m, idx1)
                return nvmax, nidx1, nvmax2, nidx2
            neg = jnp.full((16,), -1.0, dtype=jnp.float32)
            zero = iota * 0
            vmax, idx1, vmax2, idx2 = lax.fori_loop(0, M, mbody, (neg, zero, neg, zero))

            def wbody(m, carry):
                i1, i2 = carry
                mk = jnp.where(i1 == m, 1.0, jnp.where(i2 == m, 1.0, 0.0))
                m_v[m, pl.ds(16 * c, 16)] = mk
                return i1, i2

            lax.fori_loop(0, M, wbody, (idx1, idx2))
        pltpu.sync_copy(m_v, mask_hbm.at[:, pl.ds(base, rows)])


def _stage_b(xf_ref, v_ref, ud_ref, ulast_ref, e_ref, mask_ref,
             xout_ref, stats_ref, vnb_ref, unb_ref, eacc_ref, cacc_ref,
             sacc_ref):
    pid = pl.program_id(0)
    nprog = pl.num_programs(0)
    n_tok = nprog * TN

    @pl.when(pid == 0)
    def _():
        v2 = v_ref[...]
        ud = ud_ref[...]
        ulast = ulast_ref[...]
        rv = 1.0 / jnp.maximum(
            jnp.sqrt(jnp.sum(v2 * v2, axis=0, keepdims=True)), EPS)
        ru = 1.0 / jnp.maximum(
            jnp.sqrt(jnp.sum(ud * ud, axis=0, keepdims=True) + ulast * ulast),
            EPS)
        vnb_ref[...] = (v2 * rv).astype(jnp.bfloat16)
        unb_ref[...] = (ud * ru).astype(jnp.bfloat16)
        eacc_ref[...] = jnp.zeros_like(eacc_ref)
        cacc_ref[...] = jnp.zeros_like(cacc_ref)
        for i in range(4):
            sacc_ref[i] = 0.0

    vnb = vnb_ref[...]
    unb = unb_ref[...]
    energyT = e_ref[...]
    maskT = mask_ref[...]

    xt = xf_ref[...]
    xn = xt / jnp.maximum(jnp.sqrt(jnp.sum(xt * xt, axis=1, keepdims=True)), EPS)
    h = jnp.dot(xn.astype(jnp.bfloat16), vnb,
                preferred_element_type=jnp.float32)

    jj2 = jax.lax.broadcasted_iota(jnp.int32, (M, M * B), 1) // B
    mrow = jax.lax.broadcasted_iota(jnp.int32, (M, M * B), 0)
    S2 = (jj2 == mrow).astype(jnp.bfloat16)
    mask_b = jax.lax.dot_general(maskT.astype(jnp.bfloat16), S2,
                                 (((0,), (0,)), ((), ())),
                                 preferred_element_type=jnp.float32)
    hmb = h.astype(jnp.bfloat16) * mask_b.astype(jnp.bfloat16)

    x_hat = jax.lax.dot_general(hmb, vnb, (((1,), (1,)), ((), ())),
                                preferred_element_type=jnp.float32)
    writes = jax.lax.dot_general(hmb, unb, (((1,), (1,)), ((), ())),
                                 preferred_element_type=jnp.float32)
    g = jnp.dot(writes.astype(jnp.bfloat16), unb,
                preferred_element_type=jnp.float32)

    resid = xn - x_hat
    xo = xn + LAMBDA * writes
    xout_ref[...] = xo / jnp.maximum(
        jnp.sqrt(jnp.sum(xo * xo, axis=1, keepdims=True)), EPS)

    eacc_ref[...] += jnp.sum(energyT, axis=1, keepdims=True)
    cacc_ref[...] += jnp.sum(maskT, axis=1, keepdims=True)
    diff = g - h
    sacc_ref[0] += jnp.sum(resid * resid)
    sacc_ref[1] += jnp.sum(x_hat * x_hat)
    sacc_ref[2] += jnp.sum(maskT * energyT)
    sacc_ref[3] += jnp.sum(mask_b * diff * diff)

    @pl.when(pid == nprog - 1)
    def _():
        nf = jnp.float32(n_tok)
        uncaptured = sacc_ref[0] / nf
        recon = sacc_ref[1] / nf
        captured = sacc_ref[2] / nf
        writer = sacc_ref[3] / (nf * jnp.float32(K * B))
        avg_e = eacc_ref[...] / nf
        denom = jnp.maximum(jnp.sum(avg_e), EPS)
        probs = jnp.maximum(avg_e / denom, EPS)
        entropy = -jnp.sum(probs * jnp.log(probs)) / jnp.log(jnp.float32(M))
        counts = cacc_ref[...]
        expected = jnp.float32(K) / jnp.float32(M) * nf
        n_low = jnp.sum(jnp.where(counts <= 0.1 * expected, 1.0, 0.0))
        n_dead = jnp.sum(jnp.where(counts <= 0.01 * expected, 1.0, 0.0))
        stats_ref[0] = uncaptured + writer
        stats_ref[1] = uncaptured
        stats_ref[2] = entropy
        stats_ref[3] = captured
        stats_ref[4] = recon
        stats_ref[5] = n_low
        stats_ref[6] = n_dead


def kernel(x, V, U):
    n_tok = x.shape[0] * x.shape[1]
    grid = n_tok // TN
    xf = x.reshape(n_tok, D)
    v2 = V.reshape(D, M * B)
    u_t = jnp.transpose(U, (1, 0, 2)).reshape(D + 1, M * B)
    ud = u_t[:D]
    ulast = u_t[D:]

    energyT = pl.pallas_call(
        _stage_a,
        grid=(grid,),
        in_specs=[
            pl.BlockSpec((TN, D), lambda i: (i, 0)),
            pl.BlockSpec((D, M * B), lambda i: (0, 0)),
        ],
        out_specs=pl.BlockSpec((M, TN), lambda i: (0, i)),
        out_shape=jax.ShapeDtypeStruct((M, n_tok), jnp.float32),
        scratch_shapes=[pltpu.VMEM((D, M * B), jnp.bfloat16)],
    )(xf, v2)

    mesh = plsc.VectorSubcoreMesh(core_axis_name="c", subcore_axis_name="s")
    maskT = pl.kernel(
        _sc_top2,
        mesh=mesh,
        out_type=jax.ShapeDtypeStruct((M, n_tok), jnp.float32),
        scratch_types=[
            pltpu.VMEM((M, 128), jnp.float32),
            pltpu.VMEM((M, 128), jnp.float32),
        ],
    )(energyT)

    x_out, stats = pl.pallas_call(
        _stage_b,
        grid=(grid,),
        in_specs=[
            pl.BlockSpec((TN, D), lambda i: (i, 0)),
            pl.BlockSpec((D, M * B), lambda i: (0, 0)),
            pl.BlockSpec((D, M * B), lambda i: (0, 0)),
            pl.BlockSpec((1, M * B), lambda i: (0, 0)),
            pl.BlockSpec((M, TN), lambda i: (0, i)),
            pl.BlockSpec((M, TN), lambda i: (0, i)),
        ],
        out_specs=[
            pl.BlockSpec((TN, D), lambda i: (i, 0)),
            pl.BlockSpec(memory_space=pltpu.SMEM),
        ],
        out_shape=[
            jax.ShapeDtypeStruct((n_tok, D), jnp.float32),
            jax.ShapeDtypeStruct((8,), jnp.float32),
        ],
        scratch_shapes=[
            pltpu.VMEM((D, M * B), jnp.bfloat16),
            pltpu.VMEM((D, M * B), jnp.bfloat16),
            pltpu.VMEM((M, 1), jnp.float32),
            pltpu.VMEM((M, 1), jnp.float32),
            pltpu.SMEM((8,), jnp.float32),
        ],
    )(xf, v2, ud, ulast, energyT, maskT)

    x_out = x_out.reshape(x.shape)
    return (x_out, stats[0], stats[1], stats[2], stats[3], stats[4],
            stats[5], stats[6])

# --- scband reference (transcript-rebuilt; emitter-appended) ---
"""Pipeline reference for scband-sparse-expert-v3-63642825392620 (READ-ONLY COPY).

The authoritative reference and input builder live on the scoring server;
editing this copy changes nothing except your own understanding.
"""

import jax, jax.numpy as jnp
import numpy as np

D = 768
M = 64
B = 16
K = 2
EPS = 1e-08
LAMBDA = 1.0

def _normalize(v, axis, eps=EPS):
    n = jnp.sqrt(jnp.sum(v * v, axis=axis, keepdims=True))
    return v / jnp.maximum(n, eps)

def setup_inputs(seed: int = 0) -> dict:
    key = jax.random.key(seed)
    k1, k2, k3 = jax.random.split(key, 3)
    x = jax.random.normal(k1, (1, 2048, D), dtype=jnp.float32)
    V = jax.random.normal(k2, (D, M, B), dtype=jnp.float32)
    U = jax.random.normal(k3, (M, D + 1, B), dtype=jnp.float32)
    return {"x": x, "V": V, "U": U}

def reference(x, V, U):
    # parametrizations: unit column norms (UnitColNorm dim=0 for V, UnitColNormPadded dim=1 for U)
    Vn = _normalize(V, axis=0)
    Un = _normalize(U, axis=1)
    input_shape = x.shape
    xf = x.reshape(-1, D)
    xf = _normalize(xf, axis=-1)
    # SparseRead
    h_all = jnp.einsum('nd,dmb->nmb', xf, Vn)
    # TopKAutoencodeInhibitor
    h_eff = h_all  # selection_relu=False
    energy = jnp.sum(h_eff * h_eff, axis=-1)  # (N, M)
    topk_vals, topk_idxs = jax.lax.top_k(energy, K)  # (N, K)
    h_sparse = jnp.take_along_axis(h_all, topk_idxs[:, :, None], axis=1)  # (N, K, B)
    V_t = jnp.transpose(Vn, (1, 0, 2))  # (M, D, B)
    V_active = jax.lax.stop_gradient(jnp.take(V_t, topk_idxs, axis=0))  # (N, K, D, B), gathered under no_grad
    x_hat = jnp.einsum('nkdb,nkb->nd', V_active, h_sparse)
    resid = xf - x_hat
    uncaptured_energy = jnp.mean(jnp.sum(resid * resid, axis=-1))
    avg_energy_per_expert = jnp.mean(energy, axis=0)
    denom = jnp.maximum(jnp.sum(avg_energy_per_expert), EPS)
    probs = jnp.maximum(avg_energy_per_expert / denom, EPS)
    balance_entropy = -jnp.sum(probs * jnp.log(probs)) / jnp.log(jnp.float32(M))
    captured_energy_proj = jnp.mean(jnp.sum(topk_vals, axis=-1))
    recon_energy = jnp.mean(jnp.sum(x_hat * x_hat, axis=-1))
    N = topk_idxs.shape[0]
    counts = jnp.zeros((M,), dtype=jnp.float32).at[topk_idxs.reshape(-1)].add(jnp.ones((N * K,), dtype=jnp.float32))
    expected = K / float(M) * float(N)
    num_low_scoring_experts = jnp.sum((counts <= 0.1 * expected).astype(jnp.float32))
    num_near_dead_experts = jnp.sum((counts <= 0.01 * expected).astype(jnp.float32))
    topk_aux_loss = uncaptured_energy + 0.0 * (1.0 - balance_entropy)
    # DenseWrite
    U_active_full = jnp.take(Un, topk_idxs, axis=0)  # (N, K, D+1, B)
    U_active = U_active_full[:, :, :D, :]
    writes = jnp.einsum('nkdb,nkb->nd', U_active, h_sparse)
    h_recon = jnp.einsum('nkdb,nd->nkb', U_active, writes)
    h_target = jax.lax.stop_gradient(h_sparse)
    writer_aux_loss = jnp.mean((h_recon - h_target) ** 2)
    # combine
    x_out = xf + LAMBDA * writes
    x_out = _normalize(x_out, axis=-1)
    x_out = x_out.reshape(input_shape)
    total_aux_loss = topk_aux_loss + writer_aux_loss
    return (x_out, total_aux_loss, uncaptured_energy, balance_entropy, captured_energy_proj, recon_energy, num_low_scoring_experts, num_near_dead_experts)

if __name__ == "__main__":
    import jax
    _d = setup_inputs()
    print(jax.jit(kernel)(*tuple(_d.values())))

</pallas_src>

<mosaic_0001>
#map = affine_map<(d0, d1) -> (0, 0)>
module attributes {stable_mosaic.version = 14 : i64} {
  func.func @_sc_top2(%arg0: i32, %arg1: i32, %arg2: memref<64x2048xf32, #tpu.memory_space<hbm>>, %arg3: memref<64x2048xf32, #tpu.memory_space<hbm>>, %arg4: memref<64x128xf32, #tpu.memory_space<vmem>>, %arg5: memref<64x128xf32, #tpu.memory_space<vmem>>) attributes {dimension_semantics = [#tpu.dimension_semantics<core_parallel>, #tpu.dimension_semantics<subcore_parallel>], iteration_bounds = array<i64: 2, 16>, scalar_prefetch = 0 : i64, scratch_operands = 2 : i64, tpu.core_type = #tpu.core_type<sc_vector_subcore>, window_params = [{transform_indices = #map}, {transform_indices = #map}]} {
    %mul3A = arith.constant 2 : i32
    %mul3A_0 = arith.muli %arg1, %mul3A : i32
    %add3A = arith.addi %mul3A_0, %arg0 : i32
    %mul3A_1 = arith.constant 128 : i32
    %mul3A_2 = arith.muli %add3A, %mul3A_1 : i32
    %lt3A = arith.constant 16 : i32
    %lt3A_3 = arith.cmpi slt, %add3A, %lt3A : i32
    %convert_element_type3A = arith.extui %lt3A_3 : i1 to i32
    %cond3A = arith.constant 0 : i32
    %cond3A_4 = arith.cmpi ne, %convert_element_type3A, %cond3A : i32
    scf.if %cond3A_4 {
      "tpu.region"() ({
        %run_scoped3A = tpu.sem_alloc : memref<!tpu.dma_semaphore, #tpu.memory_space<semaphore_mem>>
        %dma_start3A = arith.constant 0 : i32
        %dma_start3A_131 = tpu.memref_slice %arg2[%dma_start3A, %mul3A_2] : memref<64x2048xf32, #tpu.memory_space<hbm>> -> memref<64x128xf32, #tpu.memory_space<hbm>>
        %dma_start3A_132 = arith.constant 0 : i32
        %dma_start3A_133 = tpu.memref_slice %arg2[%dma_start3A_132, %mul3A_2] : memref<64x2048xf32, #tpu.memory_space<hbm>> -> memref<64x128xf32, #tpu.memory_space<hbm>>
        tpu.enqueue_dma source(%dma_start3A_133 : memref<64x128xf32, #tpu.memory_space<hbm>>) target(%arg4 : memref<64x128xf32, #tpu.memory_space<vmem>>) target_semaphore(%run_scoped3A : memref<!tpu.dma_semaphore, #tpu.memory_space<semaphore_mem>>)
        %dma_wait3A = arith.constant 0 : i32
        %dma_wait3A_134 = tpu.memref_slice %arg2[%dma_wait3A, %mul3A_2] : memref<64x2048xf32, #tpu.memory_space<hbm>> -> memref<64x128xf32, #tpu.memory_space<hbm>>
        %dma_wait3A_135 = arith.constant 0 : i32
        %dma_wait3A_136 = tpu.memref_slice %arg2[%dma_wait3A_135, %mul3A_2] : memref<64x2048xf32, #tpu.memory_space<hbm>> -> memref<64x128xf32, #tpu.memory_space<hbm>>
        tpu.wait_dma2 semaphore(%run_scoped3A : memref<!tpu.dma_semaphore, #tpu.memory_space<semaphore_mem>>) src(%dma_wait3A_136 : memref<64x128xf32, #tpu.memory_space<hbm>>) dst(%arg4 : memref<64x128xf32, #tpu.memory_space<vmem>>)
        tpu.yield
      }) : () -> ()
      %iota3A = tpu.iota {dimensions = array<i32: 0>} : vector<16xi32>
      %broadcast_in_dim3A = arith.constant -1.000000e+00 : f32
      %broadcast_in_dim3A_5 = vector.broadcast %broadcast_in_dim3A : f32 to vector<16xf32>
      %mul3A_6 = arith.constant 0 : i32
      %mul3A_7 = vector.broadcast %mul3A_6 : i32 to vector<16xi32>
      %mul3A_8 = arith.muli %iota3A, %mul3A_7 : vector<16xi32>
      %scan3A = arith.constant 0 : i32
      %scan3A_9 = arith.constant 64 : i32
      %scan3A_10 = arith.addi %scan3A, %scan3A_9 : i32
      %scan3A_11 = arith.constant 1 : i32
      %scan3A_12:4 = scf.for %scan3A_131 = %scan3A to %scan3A_10 step %scan3A_11 iter_args(%scan3A_132 = %broadcast_in_dim3A_5, %scan3A_133 = %mul3A_8, %scan3A_134 = %broadcast_in_dim3A_5, %scan3A_135 = %mul3A_8) -> (vector<16xf32>, vector<16xi32>, vector<16xf32>, vector<16xi32>)  : i32 {
        %get3A = arith.index_cast %scan3A_131 : i32 to index
        %get3A_136 = arith.constant 0 : index
        %get3A_137 = tpu.vector_load %arg4[%get3A, %get3A_136] {strides = array<i32>} : memref<64x128xf32, #tpu.memory_space<vmem>>, vector<1x16xf32>,
        %get3A_138 = vector.shape_cast %get3A_137 : vector<1x16xf32> to vector<16xf32>
        %gt3A = arith.cmpf ogt, %get3A_138, %scan3A_134 : vector<16xf32>
        %select_n3A = arith.select %gt3A, %get3A_138, %scan3A_134 : vector<16xi1>, vector<16xf32>
        %gt3A_139 = arith.cmpf ogt, %get3A_138, %scan3A_134 : vector<16xf32>
        %broadcast_in_dim3A_140 = vector.broadcast %scan3A_131 : i32 to vector<16xi32>
        %select_n3A_141 = arith.select %gt3A_139, %broadcast_in_dim3A_140, %scan3A_135 : vector<16xi1>, vector<16xi32>
        %gt3A_142 = arith.cmpf ogt, %get3A_138, %scan3A_132 : vector<16xf32>
        %select_n3A_143 = arith.select %gt3A_142, %scan3A_132, %select_n3A : vector<16xi1>, vector<16xf32>
        %gt3A_144 = arith.cmpf ogt, %get3A_138, %scan3A_132 : vector<16xf32>
        %select_n3A_145 = arith.select %gt3A_144, %scan3A_133, %select_n3A_141 : vector<16xi1>, vector<16xi32>
        %gt3A_146 = arith.cmpf ogt, %get3A_138, %scan3A_132 : vector<16xf32>
        %select_n3A_147 = arith.select %gt3A_146, %get3A_138, %scan3A_132 : vector<16xi1>, vector<16xf32>
        %gt3A_148 = arith.cmpf ogt, %get3A_138, %scan3A_132 : vector<16xf32>
        %broadcast_in_dim3A_149 = vector.broadcast %scan3A_131 : i32 to vector<16xi32>
        %select_n3A_150 = arith.select %gt3A_148, %broadcast_in_dim3A_149, %scan3A_133 : vector<16xi1>, vector<16xi32>
        scf.yield %select_n3A_147, %select_n3A_150, %select_n3A_143, %select_n3A_145 : vector<16xf32>, vector<16xi32>, vector<16xf32>, vector<16xi32>
      }
      %scan3A_13 = arith.constant 64 : i32
      %scan3A_14 = arith.constant 0 : i32
      %scan3A_15 = arith.constant 64 : i32
      %scan3A_16 = arith.addi %scan3A_14, %scan3A_15 : i32
      %scan3A_17 = arith.constant 1 : i32
      scf.for %scan3A_131 = %scan3A_14 to %scan3A_16 step %scan3A_17  : i32 {
        %eq3A = vector.broadcast %scan3A_131 : i32 to vector<16xi32>
        %eq3A_132 = arith.cmpi eq, %scan3A_12#1, %eq3A : vector<16xi32>
        %eq3A_133 = vector.broadcast %scan3A_131 : i32 to vector<16xi32>
        %eq3A_134 = arith.cmpi eq, %scan3A_12#3, %eq3A_133 : vector<16xi32>
        %jit3A = arith.constant 1.000000e+00 : f32
        %jit3A_135 = arith.constant 0.000000e+00 : f32
        %broadcast_in_dim3A_136 = vector.broadcast %jit3A : f32 to vector<16xf32>
        %broadcast_in_dim3A_137 = vector.broadcast %jit3A_135 : f32 to vector<16xf32>
        %select_n3A = arith.select %eq3A_134, %broadcast_in_dim3A_136, %broadcast_in_dim3A_137 : vector<16xi1>, vector<16xf32>
        %jit3A_138 = arith.constant 1.000000e+00 : f32
        %broadcast_in_dim3A_139 = vector.broadcast %jit3A_138 : f32 to vector<16xf32>
        %select_n3A_140 = arith.select %eq3A_132, %broadcast_in_dim3A_139, %select_n3A : vector<16xi1>, vector<16xf32>
        %swap3A = arith.index_cast %scan3A_131 : i32 to index
        %swap3A_141 = arith.constant 0 : index
        %swap3A_142 = tpu.vector_load %arg5[%swap3A, %swap3A_141] {strides = array<i32>} : memref<64x128xf32, #tpu.memory_space<vmem>>, vector<1x16xf32>,
        %swap3A_143 = vector.shape_cast %swap3A_142 : vector<1x16xf32> to vector<16xf32>
        %swap3A_144 = vector.shape_cast %select_n3A_140 : vector<16xf32> to vector<1x16xf32>
        tpu.vector_store %arg5[%swap3A, %swap3A_141], %swap3A_144 {strides = array<i32>} : memref<64x128xf32, #tpu.memory_space<vmem>>, vector<1x16xf32>,
      }
      %scan3A_18 = arith.constant 64 : i32
      %broadcast_in_dim3A_19 = arith.constant -1.000000e+00 : f32
      %broadcast_in_dim3A_20 = vector.broadcast %broadcast_in_dim3A_19 : f32 to vector<16xf32>
      %mul3A_21 = arith.constant 0 : i32
      %mul3A_22 = vector.broadcast %mul3A_21 : i32 to vector<16xi32>
      %mul3A_23 = arith.muli %iota3A, %mul3A_22 : vector<16xi32>
      %scan3A_24 = arith.constant 0 : i32
      %scan3A_25 = arith.constant 64 : i32
      %scan3A_26 = arith.addi %scan3A_24, %scan3A_25 : i32
      %scan3A_27 = arith.constant 1 : i32
      %scan3A_28:4 = scf.for %scan3A_131 = %scan3A_24 to %scan3A_26 step %scan3A_27 iter_args(%scan3A_132 = %broadcast_in_dim3A_20, %scan3A_133 = %mul3A_23, %scan3A_134 = %broadcast_in_dim3A_20, %scan3A_135 = %mul3A_23) -> (vector<16xf32>, vector<16xi32>, vector<16xf32>, vector<16xi32>)  : i32 {
        %get3A = arith.index_cast %scan3A_131 : i32 to index
        %get3A_136 = arith.constant 16 : index
        %get3A_137 = tpu.vector_load %arg4[%get3A, %get3A_136] {strides = array<i32>} : memref<64x128xf32, #tpu.memory_space<vmem>>, vector<1x16xf32>,
        %get3A_138 = vector.shape_cast %get3A_137 : vector<1x16xf32> to vector<16xf32>
        %gt3A = arith.cmpf ogt, %get3A_138, %scan3A_134 : vector<16xf32>
        %select_n3A = arith.select %gt3A, %get3A_138, %scan3A_134 : vector<16xi1>, vector<16xf32>
        %gt3A_139 = arith.cmpf ogt, %get3A_138, %scan3A_134 : vector<16xf32>
        %broadcast_in_dim3A_140 = vector.broadcast %scan3A_131 : i32 to vector<16xi32>
        %select_n3A_141 = arith.select %gt3A_139, %broadcast_in_dim3A_140, %scan3A_135 : vector<16xi1>, vector<16xi32>
        %gt3A_142 = arith.cmpf ogt, %get3A_138, %scan3A_132 : vector<16xf32>
        %select_n3A_143 = arith.select %gt3A_142, %scan3A_132, %select_n3A : vector<16xi1>, vector<16xf32>
        %gt3A_144 = arith.cmpf ogt, %get3A_138, %scan3A_132 : vector<16xf32>
        %select_n3A_145 = arith.select %gt3A_144, %scan3A_133, %select_n3A_141 : vector<16xi1>, vector<16xi32>
        %gt3A_146 = arith.cmpf ogt, %get3A_138, %scan3A_132 : vector<16xf32>
        %select_n3A_147 = arith.select %gt3A_146, %get3A_138, %scan3A_132 : vector<16xi1>, vector<16xf32>
        %gt3A_148 = arith.cmpf ogt, %get3A_138, %scan3A_132 : vector<16xf32>
        %broadcast_in_dim3A_149 = vector.broadcast %scan3A_131 : i32 to vector<16xi32>
        %select_n3A_150 = arith.select %gt3A_148, %broadcast_in_dim3A_149, %scan3A_133 : vector<16xi1>, vector<16xi32>
        scf.yield %select_n3A_147, %select_n3A_150, %select_n3A_143, %select_n3A_145 : vector<16xf32>, vector<16xi32>, vector<16xf32>, vector<16xi32>
      }
      %scan3A_29 = arith.constant 64 : i32
      %scan3A_30 = arith.constant 0 : i32
      %scan3A_31 = arith.constant 64 : i32
      %scan3A_32 = arith.addi %scan3A_30, %scan3A_31 : i32
      %scan3A_33 = arith.constant 1 : i32
      scf.for %scan3A_131 = %scan3A_30 to %scan3A_32 step %scan3A_33  : i32 {
        %eq3A = vector.broadcast %scan3A_131 : i32 to vector<16xi32>
        %eq3A_132 = arith.cmpi eq, %scan3A_28#1, %eq3A : vector<16xi32>
        %eq3A_133 = vector.broadcast %scan3A_131 : i32 to vector<16xi32>
        %eq3A_134 = arith.cmpi eq, %scan3A_28#3, %eq3A_133 : vector<16xi32>
        %jit3A = arith.constant 1.000000e+00 : f32
        %jit3A_135 = arith.constant 0.000000e+00 : f32
        %broadcast_in_dim3A_136 = vector.broadcast %jit3A : f32 to vector<16xf32>
        %broadcast_in_dim3A_137 = vector.broadcast %jit3A_135 : f32 to vector<16xf32>
        %select_n3A = arith.select %eq3A_134, %broadcast_in_dim3A_136, %broadcast_in_dim3A_137 : vector<16xi1>, vector<16xf32>
        %jit3A_138 = arith.constant 1.000000e+00 : f32
        %broadcast_in_dim3A_139 = vector.broadcast %jit3A_138 : f32 to vector<16xf32>
        %select_n3A_140 = arith.select %eq3A_132, %broadcast_in_dim3A_139, %select_n3A : vector<16xi1>, vector<16xf32>
        %swap3A = arith.index_cast %scan3A_131 : i32 to index
        %swap3A_141 = arith.constant 16 : index
        %swap3A_142 = tpu.vector_load %arg5[%swap3A, %swap3A_141] {strides = array<i32>} : memref<64x128xf32, #tpu.memory_space<vmem>>, vector<1x16xf32>,
        %swap3A_143 = vector.shape_cast %swap3A_142 : vector<1x16xf32> to vector<16xf32>
        %swap3A_144 = vector.shape_cast %select_n3A_140 : vector<16xf32> to vector<1x16xf32>
        tpu.vector_store %arg5[%swap3A, %swap3A_141], %swap3A_144 {strides = array<i32>} : memref<64x128xf32, #tpu.memory_space<vmem>>, vector<1x16xf32>,
      }
      %scan3A_34 = arith.constant 64 : i32
      %broadcast_in_dim3A_35 = arith.constant -1.000000e+00 : f32
      %broadcast_in_dim3A_36 = vector.broadcast %broadcast_in_dim3A_35 : f32 to vector<16xf32>
      %mul3A_37 = arith.constant 0 : i32
      %mul3A_38 = vector.broadcast %mul3A_37 : i32 to vector<16xi32>
      %mul3A_39 = arith.muli %iota3A, %mul3A_38 : vector<16xi32>
      %scan3A_40 = arith.constant 0 : i32
      %scan3A_41 = arith.constant 64 : i32
      %scan3A_42 = arith.addi %scan3A_40, %scan3A_41 : i32
      %scan3A_43 = arith.constant 1 : i32
      %scan3A_44:4 = scf.for %scan3A_131 = %scan3A_40 to %scan3A_42 step %scan3A_43 iter_args(%scan3A_132 = %broadcast_in_dim3A_36, %scan3A_133 = %mul3A_39, %scan3A_134 = %broadcast_in_dim3A_36, %scan3A_135 = %mul3A_39) -> (vector<16xf32>, vector<16xi32>, vector<16xf32>, vector<16xi32>)  : i32 {
        %get3A = arith.index_cast %scan3A_131 : i32 to index
        %get3A_136 = arith.constant 32 : index
        %get3A_137 = tpu.vector_load %arg4[%get3A, %get3A_136] {strides = array<i32>} : memref<64x128xf32, #tpu.memory_space<vmem>>, vector<1x16xf32>,
        %get3A_138 = vector.shape_cast %get3A_137 : vector<1x16xf32> to vector<16xf32>
        %gt3A = arith.cmpf ogt, %get3A_138, %scan3A_134 : vector<16xf32>
        %select_n3A = arith.select %gt3A, %get3A_138, %scan3A_134 : vector<16xi1>, vector<16xf32>
        %gt3A_139 = arith.cmpf ogt, %get3A_138, %scan3A_134 : vector<16xf32>
        %broadcast_in_dim3A_140 = vector.broadcast %scan3A_131 : i32 to vector<16xi32>
        %select_n3A_141 = arith.select %gt3A_139, %broadcast_in_dim3A_140, %scan3A_135 : vector<16xi1>, vector<16xi32>
        %gt3A_142 = arith.cmpf ogt, %get3A_138, %scan3A_132 : vector<16xf32>
        %select_n3A_143 = arith.select %gt3A_142, %scan3A_132, %select_n3A : vector<16xi1>, vector<16xf32>
        %gt3A_144 = arith.cmpf ogt, %get3A_138, %scan3A_132 : vector<16xf32>
        %select_n3A_145 = arith.select %gt3A_144, %scan3A_133, %select_n3A_141 : vector<16xi1>, vector<16xi32>
        %gt3A_146 = arith.cmpf ogt, %get3A_138, %scan3A_132 : vector<16xf32>
        %select_n3A_147 = arith.select %gt3A_146, %get3A_138, %scan3A_132 : vector<16xi1>, vector<16xf32>
        %gt3A_148 = arith.cmpf ogt, %get3A_138, %scan3A_132 : vector<16xf32>
        %broadcast_in_dim3A_149 = vector.broadcast %scan3A_131 : i32 to vector<16xi32>
        %select_n3A_150 = arith.select %gt3A_148, %broadcast_in_dim3A_149, %scan3A_133 : vector<16xi1>, vector<16xi32>
        scf.yield %select_n3A_147, %select_n3A_150, %select_n3A_143, %select_n3A_145 : vector<16xf32>, vector<16xi32>, vector<16xf32>, vector<16xi32>
      }
      %scan3A_45 = arith.constant 64 : i32
      %scan3A_46 = arith.constant 0 : i32
      %scan3A_47 = arith.constant 64 : i32
      %scan3A_48 = arith.addi %scan3A_46, %scan3A_47 : i32
      %scan3A_49 = arith.constant 1 : i32
      scf.for %scan3A_131 = %scan3A_46 to %scan3A_48 step %scan3A_49  : i32 {
        %eq3A = vector.broadcast %scan3A_131 : i32 to vector<16xi32>
        %eq3A_132 = arith.cmpi eq, %scan3A_44#1, %eq3A : vector<16xi32>
        %eq3A_133 = vector.broadcast %scan3A_131 : i32 to vector<16xi32>
        %eq3A_134 = arith.cmpi eq, %scan3A_44#3, %eq3A_133 : vector<16xi32>
        %jit3A = arith.constant 1.000000e+00 : f32
        %jit3A_135 = arith.constant 0.000000e+00 : f32
        %broadcast_in_dim3A_136 = vector.broadcast %jit3A : f32 to vector<16xf32>
        %broadcast_in_dim3A_137 = vector.broadcast %jit3A_135 : f32 to vector<16xf32>
        %select_n3A = arith.select %eq3A_134, %broadcast_in_dim3A_136, %broadcast_in_dim3A_137 : vector<16xi1>, vector<16xf32>
        %jit3A_138 = arith.constant 1.000000e+00 : f32
        %broadcast_in_dim3A_139 = vector.broadcast %jit3A_138 : f32 to vector<16xf32>
        %select_n3A_140 = arith.select %eq3A_132, %broadcast_in_dim3A_139, %select_n3A : vector<16xi1>, vector<16xf32>
        %swap3A = arith.index_cast %scan3A_131 : i32 to index
        %swap3A_141 = arith.constant 32 : index
        %swap3A_142 = tpu.vector_load %arg5[%swap3A, %swap3A_141] {strides = array<i32>} : memref<64x128xf32, #tpu.memory_space<vmem>>, vector<1x16xf32>,
        %swap3A_143 = vector.shape_cast %swap3A_142 : vector<1x16xf32> to vector<16xf32>
        %swap3A_144 = vector.shape_cast %select_n3A_140 : vector<16xf32> to vector<1x16xf32>
        tpu.vector_store %arg5[%swap3A, %swap3A_141], %swap3A_144 {strides = array<i32>} : memref<64x128xf32, #tpu.memory_space<vmem>>, vector<1x16xf32>,
      }
      %scan3A_50 = arith.constant 64 : i32
      %broadcast_in_dim3A_51 = arith.constant -1.000000e+00 : f32
      %broadcast_in_dim3A_52 = vector.broadcast %broadcast_in_dim3A_51 : f32 to vector<16xf32>
      %mul3A_53 = arith.constant 0 : i32
      %mul3A_54 = vector.broadcast %mul3A_53 : i32 to vector<16xi32>
      %mul3A_55 = arith.muli %iota3A, %mul3A_54 : vector<16xi32>
      %scan3A_56 = arith.constant 0 : i32
      %scan3A_57 = arith.constant 64 : i32
      %scan3A_58 = arith.addi %scan3A_56, %scan3A_57 : i32
      %scan3A_59 = arith.constant 1 : i32
      %scan3A_60:4 = scf.for %scan3A_131 = %scan3A_56 to %scan3A_58 step %scan3A_59 iter_args(%scan3A_132 = %broadcast_in_dim3A_52, %scan3A_133 = %mul3A_55, %scan3A_134 = %broadcast_in_dim3A_52, %scan3A_135 = %mul3A_55) -> (vector<16xf32>, vector<16xi32>, vector<16xf32>, vector<16xi32>)  : i32 {
        %get3A = arith.index_cast %scan3A_131 : i32 to index
        %get3A_136 = arith.constant 48 : index
        %get3A_137 = tpu.vector_load %arg4[%get3A, %get3A_136] {strides = array<i32>} : memref<64x128xf32, #tpu.memory_space<vmem>>, vector<1x16xf32>,
        %get3A_138 = vector.shape_cast %get3A_137 : vector<1x16xf32> to vector<16xf32>
        %gt3A = arith.cmpf ogt, %get3A_138, %scan3A_134 : vector<16xf32>
        %select_n3A = arith.select %gt3A, %get3A_138, %scan3A_134 : vector<16xi1>, vector<16xf32>
        %gt3A_139 = arith.cmpf ogt, %get3A_138, %scan3A_134 : vector<16xf32>
        %broadcast_in_dim3A_140 = vector.broadcast %scan3A_131 : i32 to vector<16xi32>
        %select_n3A_141 = arith.select %gt3A_139, %broadcast_in_dim3A_140, %scan3A_135 : vector<16xi1>, vector<16xi32>
        %gt3A_142 = arith.cmpf ogt, %get3A_138, %scan3A_132 : vector<16xf32>
        %select_n3A_143 = arith.select %gt3A_142, %scan3A_132, %select_n3A : vector<16xi1>, vector<16xf32>
        %gt3A_144 = arith.cmpf ogt, %get3A_138, %scan3A_132 : vector<16xf32>
        %select_n3A_145 = arith.select %gt3A_144, %scan3A_133, %select_n3A_141 : vector<16xi1>, vector<16xi32>
        %gt3A_146 = arith.cmpf ogt, %get3A_138, %scan3A_132 : vector<16xf32>
        %select_n3A_147 = arith.select %gt3A_146, %get3A_138, %scan3A_132 : vector<16xi1>, vector<16xf32>
        %gt3A_148 = arith.cmpf ogt, %get3A_138, %scan3A_132 : vector<16xf32>
        %broadcast_in_dim3A_149 = vector.broadcast %scan3A_131 : i32 to vector<16xi32>
        %select_n3A_150 = arith.select %gt3A_148, %broadcast_in_dim3A_149, %scan3A_133 : vector<16xi1>, vector<16xi32>
        scf.yield %select_n3A_147, %select_n3A_150, %select_n3A_143, %select_n3A_145 : vector<16xf32>, vector<16xi32>, vector<16xf32>, vector<16xi32>
      }
      %scan3A_61 = arith.constant 64 : i32
      %scan3A_62 = arith.constant 0 : i32
      %scan3A_63 = arith.constant 64 : i32
      %scan3A_64 = arith.addi %scan3A_62, %scan3A_63 : i32
      %scan3A_65 = arith.constant 1 : i32
      scf.for %scan3A_131 = %scan3A_62 to %scan3A_64 step %scan3A_65  : i32 {
        %eq3A = vector.broadcast %scan3A_131 : i32 to vector<16xi32>
        %eq3A_132 = arith.cmpi eq, %scan3A_60#1, %eq3A : vector<16xi32>
        %eq3A_133 = vector.broadcast %scan3A_131 : i32 to vector<16xi32>
        %eq3A_134 = arith.cmpi eq, %scan3A_60#3, %eq3A_133 : vector<16xi32>
        %jit3A = arith.constant 1.000000e+00 : f32
        %jit3A_135 = arith.constant 0.000000e+00 : f32
        %broadcast_in_dim3A_136 = vector.broadcast %jit3A : f32 to vector<16xf32>
        %broadcast_in_dim3A_137 = vector.broadcast %jit3A_135 : f32 to vector<16xf32>
        %select_n3A = arith.select %eq3A_134, %broadcast_in_dim3A_136, %broadcast_in_dim3A_137 : vector<16xi1>, vector<16xf32>
        %jit3A_138 = arith.constant 1.000000e+00 : f32
        %broadcast_in_dim3A_139 = vector.broadcast %jit3A_138 : f32 to vector<16xf32>
        %select_n3A_140 = arith.select %eq3A_132, %broadcast_in_dim3A_139, %select_n3A : vector<16xi1>, vector<16xf32>
        %swap3A = arith.index_cast %scan3A_131 : i32 to index
        %swap3A_141 = arith.constant 48 : index
        %swap3A_142 = tpu.vector_load %arg5[%swap3A, %swap3A_141] {strides = array<i32>} : memref<64x128xf32, #tpu.memory_space<vmem>>, vector<1x16xf32>,
        %swap3A_143 = vector.shape_cast %swap3A_142 : vector<1x16xf32> to vector<16xf32>
        %swap3A_144 = vector.shape_cast %select_n3A_140 : vector<16xf32> to vector<1x16xf32>
        tpu.vector_store %arg5[%swap3A, %swap3A_141], %swap3A_144 {strides = array<i32>} : memref<64x128xf32, #tpu.memory_space<vmem>>, vector<1x16xf32>,
      }
      %scan3A_66 = arith.constant 64 : i32
      %broadcast_in_dim3A_67 = arith.constant -1.000000e+00 : f32
      %broadcast_in_dim3A_68 = vector.broadcast %broadcast_in_dim3A_67 : f32 to vector<16xf32>
      %mul3A_69 = arith.constant 0 : i32
      %mul3A_70 = vector.broadcast %mul3A_69 : i32 to vector<16xi32>
      %mul3A_71 = arith.muli %iota3A, %mul3A_70 : vector<16xi32>
      %scan3A_72 = arith.constant 0 : i32
      %scan3A_73 = arith.constant 64 : i32
      %scan3A_74 = arith.addi %scan3A_72, %scan3A_73 : i32
      %scan3A_75 = arith.constant 1 : i32
      %scan3A_76:4 = scf.for %scan3A_131 = %scan3A_72 to %scan3A_74 step %scan3A_75 iter_args(%scan3A_132 = %broadcast_in_dim3A_68, %scan3A_133 = %mul3A_71, %scan3A_134 = %broadcast_in_dim3A_68, %scan3A_135 = %mul3A_71) -> (vector<16xf32>, vector<16xi32>, vector<16xf32>, vector<16xi32>)  : i32 {
        %get3A = arith.index_cast %scan3A_131 : i32 to index
        %get3A_136 = arith.constant 64 : index
        %get3A_137 = tpu.vector_load %arg4[%get3A, %get3A_136] {strides = array<i32>} : memref<64x128xf32, #tpu.memory_space<vmem>>, vector<1x16xf32>,
        %get3A_138 = vector.shape_cast %get3A_137 : vector<1x16xf32> to vector<16xf32>
        %gt3A = arith.cmpf ogt, %get3A_138, %scan3A_134 : vector<16xf32>
        %select_n3A = arith.select %gt3A, %get3A_138, %scan3A_134 : vector<16xi1>, vector<16xf32>
        %gt3A_139 = arith.cmpf ogt, %get3A_138, %scan3A_134 : vector<16xf32>
        %broadcast_in_dim3A_140 = vector.broadcast %scan3A_131 : i32 to vector<16xi32>
        %select_n3A_141 = arith.select %gt3A_139, %broadcast_in_dim3A_140, %scan3A_135 : vector<16xi1>, vector<16xi32>
        %gt3A_142 = arith.cmpf ogt, %get3A_138, %scan3A_132 : vector<16xf32>
        %select_n3A_143 = arith.select %gt3A_142, %scan3A_132, %select_n3A : vector<16xi1>, vector<16xf32>
        %gt3A_144 = arith.cmpf ogt, %get3A_138, %scan3A_132 : vector<16xf32>
        %select_n3A_145 = arith.select %gt3A_144, %scan3A_133, %select_n3A_141 : vector<16xi1>, vector<16xi32>
        %gt3A_146 = arith.cmpf ogt, %get3A_138, %scan3A_132 : vector<16xf32>
        %select_n3A_147 = arith.select %gt3A_146, %get3A_138, %scan3A_132 : vector<16xi1>, vector<16xf32>
        %gt3A_148 = arith.cmpf ogt, %get3A_138, %scan3A_132 : vector<16xf32>
        %broadcast_in_dim3A_149 = vector.broadcast %scan3A_131 : i32 to vector<16xi32>
        %select_n3A_150 = arith.select %gt3A_148, %broadcast_in_dim3A_149, %scan3A_133 : vector<16xi1>, vector<16xi32>
        scf.yield %select_n3A_147, %select_n3A_150, %select_n3A_143, %select_n3A_145 : vector<16xf32>, vector<16xi32>, vector<16xf32>, vector<16xi32>
      }
      %scan3A_77 = arith.constant 64 : i32
      %scan3A_78 = arith.constant 0 : i32
      %scan3A_79 = arith.constant 64 : i32
      %scan3A_80 = arith.addi %scan3A_78, %scan3A_79 : i32
      %scan3A_81 = arith.constant 1 : i32
      scf.for %scan3A_131 = %scan3A_78 to %scan3A_80 step %scan3A_81  : i32 {
        %eq3A = vector.broadcast %scan3A_131 : i32 to vector<16xi32>
        %eq3A_132 = arith.cmpi eq, %scan3A_76#1, %eq3A : vector<16xi32>
        %eq3A_133 = vector.broadcast %scan3A_131 : i32 to vector<16xi32>
        %eq3A_134 = arith.cmpi eq, %scan3A_76#3, %eq3A_133 : vector<16xi32>
        %jit3A = arith.constant 1.000000e+00 : f32
        %jit3A_135 = arith.constant 0.000000e+00 : f32
        %broadcast_in_dim3A_136 = vector.broadcast %jit3A : f32 to vector<16xf32>
        %broadcast_in_dim3A_137 = vector.broadcast %jit3A_135 : f32 to vector<16xf32>
        %select_n3A = arith.select %eq3A_134, %broadcast_in_dim3A_136, %broadcast_in_dim3A_137 : vector<16xi1>, vector<16xf32>
        %jit3A_138 = arith.constant 1.000000e+00 : f32
        %broadcast_in_dim3A_139 = vector.broadcast %jit3A_138 : f32 to vector<16xf32>
        %select_n3A_140 = arith.select %eq3A_132, %broadcast_in_dim3A_139, %select_n3A : vector<16xi1>, vector<16xf32>
        %swap3A = arith.index_cast %scan3A_131 : i32 to index
        %swap3A_141 = arith.constant 64 : index
        %swap3A_142 = tpu.vector_load %arg5[%swap3A, %swap3A_141] {strides = array<i32>} : memref<64x128xf32, #tpu.memory_space<vmem>>, vector<1x16xf32>,
        %swap3A_143 = vector.shape_cast %swap3A_142 : vector<1x16xf32> to vector<16xf32>
        %swap3A_144 = vector.shape_cast %select_n3A_140 : vector<16xf32> to vector<1x16xf32>
        tpu.vector_store %arg5[%swap3A, %swap3A_141], %swap3A_144 {strides = array<i32>} : memref<64x128xf32, #tpu.memory_space<vmem>>, vector<1x16xf32>,
      }
      %scan3A_82 = arith.constant 64 : i32
      %broadcast_in_dim3A_83 = arith.constant -1.000000e+00 : f32
      %broadcast_in_dim3A_84 = vector.broadcast %broadcast_in_dim3A_83 : f32 to vector<16xf32>
      %mul3A_85 = arith.constant 0 : i32
      %mul3A_86 = vector.broadcast %mul3A_85 : i32 to vector<16xi32>
      %mul3A_87 = arith.muli %iota3A, %mul3A_86 : vector<16xi32>
      %scan3A_88 = arith.constant 0 : i32
      %scan3A_89 = arith.constant 64 : i32
      %scan3A_90 = arith.addi %scan3A_88, %scan3A_89 : i32
      %scan3A_91 = arith.constant 1 : i32
      %scan3A_92:4 = scf.for %scan3A_131 = %scan3A_88 to %scan3A_90 step %scan3A_91 iter_args(%scan3A_132 = %broadcast_in_dim3A_84, %scan3A_133 = %mul3A_87, %scan3A_134 = %broadcast_in_dim3A_84, %scan3A_135 = %mul3A_87) -> (vector<16xf32>, vector<16xi32>, vector<16xf32>, vector<16xi32>)  : i32 {
        %get3A = arith.index_cast %scan3A_131 : i32 to index
        %get3A_136 = arith.constant 80 : index
        %get3A_137 = tpu.vector_load %arg4[%get3A, %get3A_136] {strides = array<i32>} : memref<64x128xf32, #tpu.memory_space<vmem>>, vector<1x16xf32>,
        %get3A_138 = vector.shape_cast %get3A_137 : vector<1x16xf32> to vector<16xf32>
        %gt3A = arith.cmpf ogt, %get3A_138, %scan3A_134 : vector<16xf32>
        %select_n3A = arith.select %gt3A, %get3A_138, %scan3A_134 : vector<16xi1>, vector<16xf32>
        %gt3A_139 = arith.cmpf ogt, %get3A_138, %scan3A_134 : vector<16xf32>
        %broadcast_in_dim3A_140 = vector.broadcast %scan3A_131 : i32 to vector<16xi32>
        %select_n3A_141 = arith.select %gt3A_139, %broadcast_in_dim3A_140, %scan3A_135 : vector<16xi1>, vector<16xi32>
        %gt3A_142 = arith.cmpf ogt, %get3A_138, %scan3A_132 : vector<16xf32>
        %select_n3A_143 = arith.select %gt3A_142, %scan3A_132, %select_n3A : vector<16xi1>, vector<16xf32>
        %gt3A_144 = arith.cmpf ogt, %get3A_138, %scan3A_132 : vector<16xf32>
        %select_n3A_145 = arith.select %gt3A_144, %scan3A_133, %select_n3A_141 : vector<16xi1>, vector<16xi32>
        %gt3A_146 = arith.cmpf ogt, %get3A_138, %scan3A_132 : vector<16xf32>
        %select_n3A_147 = arith.select %gt3A_146, %get3A_138, %scan3A_132 : vector<16xi1>, vector<16xf32>
        %gt3A_148 = arith.cmpf ogt, %get3A_138, %scan3A_132 : vector<16xf32>
        %broadcast_in_dim3A_149 = vector.broadcast %scan3A_131 : i32 to vector<16xi32>
        %select_n3A_150 = arith.select %gt3A_148, %broadcast_in_dim3A_149, %scan3A_133 : vector<16xi1>, vector<16xi32>
        scf.yield %select_n3A_147, %select_n3A_150, %select_n3A_143, %select_n3A_145 : vector<16xf32>, vector<16xi32>, vector<16xf32>, vector<16xi32>
      }
      %scan3A_93 = arith.constant 64 : i32
      %scan3A_94 = arith.constant 0 : i32
      %scan3A_95 = arith.constant 64 : i32
      %scan3A_96 = arith.addi %scan3A_94, %scan3A_95 : i32
      %scan3A_97 = arith.constant 1 : i32
      scf.for %scan3A_131 = %scan3A_94 to %scan3A_96 step %scan3A_97  : i32 {
        %eq3A = vector.broadcast %scan3A_131 : i32 to vector<16xi32>
        %eq3A_132 = arith.cmpi eq, %scan3A_92#1, %eq3A : vector<16xi32>
        %eq3A_133 = vector.broadcast %scan3A_131 : i32 to vector<16xi32>
        %eq3A_134 = arith.cmpi eq, %scan3A_92#3, %eq3A_133 : vector<16xi32>
        %jit3A = arith.constant 1.000000e+00 : f32
        %jit3A_135 = arith.constant 0.000000e+00 : f32
        %broadcast_in_dim3A_136 = vector.broadcast %jit3A : f32 to vector<16xf32>
        %broadcast_in_dim3A_137 = vector.broadcast %jit3A_135 : f32 to vector<16xf32>
        %select_n3A = arith.select %eq3A_134, %broadcast_in_dim3A_136, %broadcast_in_dim3A_137 : vector<16xi1>, vector<16xf32>
        %jit3A_138 = arith.constant 1.000000e+00 : f32
        %broadcast_in_dim3A_139 = vector.broadcast %jit3A_138 : f32 to vector<16xf32>
        %select_n3A_140 = arith.select %eq3A_132, %broadcast_in_dim3A_139, %select_n3A : vector<16xi1>, vector<16xf32>
        %swap3A = arith.index_cast %scan3A_131 : i32 to index
        %swap3A_141 = arith.constant 80 : index
        %swap3A_142 = tpu.vector_load %arg5[%swap3A, %swap3A_141] {strides = array<i32>} : memref<64x128xf32, #tpu.memory_space<vmem>>, vector<1x16xf32>,
        %swap3A_143 = vector.shape_cast %swap3A_142 : vector<1x16xf32> to vector<16xf32>
        %swap3A_144 = vector.shape_cast %select_n3A_140 : vector<16xf32> to vector<1x16xf32>
        tpu.vector_store %arg5[%swap3A, %swap3A_141], %swap3A_144 {strides = array<i32>} : memref<64x128xf32, #tpu.memory_space<vmem>>, vector<1x16xf32>,
      }
      %scan3A_98 = arith.constant 64 : i32
      %broadcast_in_dim3A_99 = arith.constant -1.000000e+00 : f32
      %broadcast_in_dim3A_100 = vector.broadcast %broadcast_in_dim3A_99 : f32 to vector<16xf32>
      %mul3A_101 = arith.constant 0 : i32
      %mul3A_102 = vector.broadcast %mul3A_101 : i32 to vector<16xi32>
      %mul3A_103 = arith.muli %iota3A, %mul3A_102 : vector<16xi32>
      %scan3A_104 = arith.constant 0 : i32
      %scan3A_105 = arith.constant 64 : i32
      %scan3A_106 = arith.addi %scan3A_104, %scan3A_105 : i32
      %scan3A_107 = arith.constant 1 : i32
      %scan3A_108:4 = scf.for %scan3A_131 = %scan3A_104 to %scan3A_106 step %scan3A_107 iter_args(%scan3A_132 = %broadcast_in_dim3A_100, %scan3A_133 = %mul3A_103, %scan3A_134 = %broadcast_in_dim3A_100, %scan3A_135 = %mul3A_103) -> (vector<16xf32>, vector<16xi32>, vector<16xf32>, vector<16xi32>)  : i32 {
        %get3A = arith.index_cast %scan3A_131 : i32 to index
        %get3A_136 = arith.constant 96 : index
        %get3A_137 = tpu.vector_load %arg4[%get3A, %get3A_136] {strides = array<i32>} : memref<64x128xf32, #tpu.memory_space<vmem>>, vector<1x16xf32>,
        %get3A_138 = vector.shape_cast %get3A_137 : vector<1x16xf32> to vector<16xf32>
        %gt3A = arith.cmpf ogt, %get3A_138, %scan3A_134 : vector<16xf32>
        %select_n3A = arith.select %gt3A, %get3A_138, %scan3A_134 : vector<16xi1>, vector<16xf32>
        %gt3A_139 = arith.cmpf ogt, %get3A_138, %scan3A_134 : vector<16xf32>
        %broadcast_in_dim3A_140 = vector.broadcast %scan3A_131 : i32 to vector<16xi32>
        %select_n3A_141 = arith.select %gt3A_139, %broadcast_in_dim3A_140, %scan3A_135 : vector<16xi1>, vector<16xi32>
        %gt3A_142 = arith.cmpf ogt, %get3A_138, %scan3A_132 : vector<16xf32>
        %select_n3A_143 = arith.select %gt3A_142, %scan3A_132, %select_n3A : vector<16xi1>, vector<16xf32>
        %gt3A_144 = arith.cmpf ogt, %get3A_138, %scan3A_132 : vector<16xf32>
        %select_n3A_145 = arith.select %gt3A_144, %scan3A_133, %select_n3A_141 : vector<16xi1>, vector<16xi32>
        %gt3A_146 = arith.cmpf ogt, %get3A_138, %scan3A_132 : vector<16xf32>
        %select_n3A_147 = arith.select %gt3A_146, %get3A_138, %scan3A_132 : vector<16xi1>, vector<16xf32>
        %gt3A_148 = arith.cmpf ogt, %get3A_138, %scan3A_132 : vector<16xf32>
        %broadcast_in_dim3A_149 = vector.broadcast %scan3A_131 : i32 to vector<16xi32>
        %select_n3A_150 = arith.select %gt3A_148, %broadcast_in_dim3A_149, %scan3A_133 : vector<16xi1>, vector<16xi32>
        scf.yield %select_n3A_147, %select_n3A_150, %select_n3A_143, %select_n3A_145 : vector<16xf32>, vector<16xi32>, vector<16xf32>, vector<16xi32>
      }
      %scan3A_109 = arith.constant 64 : i32
      %scan3A_110 = arith.constant 0 : i32
      %scan3A_111 = arith.constant 64 : i32
      %scan3A_112 = arith.addi %scan3A_110, %scan3A_111 : i32
      %scan3A_113 = arith.constant 1 : i32
      scf.for %scan3A_131 = %scan3A_110 to %scan3A_112 step %scan3A_113  : i32 {
        %eq3A = vector.broadcast %scan3A_131 : i32 to vector<16xi32>
        %eq3A_132 = arith.cmpi eq, %scan3A_108#1, %eq3A : vector<16xi32>
        %eq3A_133 = vector.broadcast %scan3A_131 : i32 to vector<16xi32>
        %eq3A_134 = arith.cmpi eq, %scan3A_108#3, %eq3A_133 : vector<16xi32>
        %jit3A = arith.constant 1.000000e+00 : f32
        %jit3A_135 = arith.constant 0.000000e+00 : f32
        %broadcast_in_dim3A_136 = vector.broadcast %jit3A : f32 to vector<16xf32>
        %broadcast_in_dim3A_137 = vector.broadcast %jit3A_135 : f32 to vector<16xf32>
        %select_n3A = arith.select %eq3A_134, %broadcast_in_dim3A_136, %broadcast_in_dim3A_137 : vector<16xi1>, vector<16xf32>
        %jit3A_138 = arith.constant 1.000000e+00 : f32
        %broadcast_in_dim3A_139 = vector.broadcast %jit3A_138 : f32 to vector<16xf32>
        %select_n3A_140 = arith.select %eq3A_132, %broadcast_in_dim3A_139, %select_n3A : vector<16xi1>, vector<16xf32>
        %swap3A = arith.index_cast %scan3A_131 : i32 to index
        %swap3A_141 = arith.constant 96 : index
        %swap3A_142 = tpu.vector_load %arg5[%swap3A, %swap3A_141] {strides = array<i32>} : memref<64x128xf32, #tpu.memory_space<vmem>>, vector<1x16xf32>,
        %swap3A_143 = vector.shape_cast %swap3A_142 : vector<1x16xf32> to vector<16xf32>
        %swap3A_144 = vector.shape_cast %select_n3A_140 : vector<16xf32> to vector<1x16xf32>
        tpu.vector_store %arg5[%swap3A, %swap3A_141], %swap3A_144 {strides = array<i32>} : memref<64x128xf32, #tpu.memory_space<vmem>>, vector<1x16xf32>,
      }
      %scan3A_114 = arith.constant 64 : i32
      %broadcast_in_dim3A_115 = arith.constant -1.000000e+00 : f32
      %broadcast_in_dim3A_116 = vector.broadcast %broadcast_in_dim3A_115 : f32 to vector<16xf32>
      %mul3A_117 = arith.constant 0 : i32
      %mul3A_118 = vector.broadcast %mul3A_117 : i32 to vector<16xi32>
      %mul3A_119 = arith.muli %iota3A, %mul3A_118 : vector<16xi32>
      %scan3A_120 = arith.constant 0 : i32
      %scan3A_121 = arith.constant 64 : i32
      %scan3A_122 = arith.addi %scan3A_120, %scan3A_121 : i32
      %scan3A_123 = arith.constant 1 : i32
      %scan3A_124:4 = scf.for %scan3A_131 = %scan3A_120 to %scan3A_122 step %scan3A_123 iter_args(%scan3A_132 = %broadcast_in_dim3A_116, %scan3A_133 = %mul3A_119, %scan3A_134 = %broadcast_in_dim3A_116, %scan3A_135 = %mul3A_119) -> (vector<16xf32>, vector<16xi32>, vector<16xf32>, vector<16xi32>)  : i32 {
        %get3A = arith.index_cast %scan3A_131 : i32 to index
        %get3A_136 = arith.constant 112 : index
        %get3A_137 = tpu.vector_load %arg4[%get3A, %get3A_136] {strides = array<i32>} : memref<64x128xf32, #tpu.memory_space<vmem>>, vector<1x16xf32>,
        %get3A_138 = vector.shape_cast %get3A_137 : vector<1x16xf32> to vector<16xf32>
        %gt3A = arith.cmpf ogt, %get3A_138, %scan3A_134 : vector<16xf32>
        %select_n3A = arith.select %gt3A, %get3A_138, %scan3A_134 : vector<16xi1>, vector<16xf32>
        %gt3A_139 = arith.cmpf ogt, %get3A_138, %scan3A_134 : vector<16xf32>
        %broadcast_in_dim3A_140 = vector.broadcast %scan3A_131 : i32 to vector<16xi32>
        %select_n3A_141 = arith.select %gt3A_139, %broadcast_in_dim3A_140, %scan3A_135 : vector<16xi1>, vector<16xi32>
        %gt3A_142 = arith.cmpf ogt, %get3A_138, %scan3A_132 : vector<16xf32>
        %select_n3A_143 = arith.select %gt3A_142, %scan3A_132, %select_n3A : vector<16xi1>, vector<16xf32>
        %gt3A_144 = arith.cmpf ogt, %get3A_138, %scan3A_132 : vector<16xf32>
        %select_n3A_145 = arith.select %gt3A_144, %scan3A_133, %select_n3A_141 : vector<16xi1>, vector<16xi32>
        %gt3A_146 = arith.cmpf ogt, %get3A_138, %scan3A_132 : vector<16xf32>
        %select_n3A_147 = arith.select %gt3A_146, %get3A_138, %scan3A_132 : vector<16xi1>, vector<16xf32>
        %gt3A_148 = arith.cmpf ogt, %get3A_138, %scan3A_132 : vector<16xf32>
        %broadcast_in_dim3A_149 = vector.broadcast %scan3A_131 : i32 to vector<16xi32>
        %select_n3A_150 = arith.select %gt3A_148, %broadcast_in_dim3A_149, %scan3A_133 : vector<16xi1>, vector<16xi32>
        scf.yield %select_n3A_147, %select_n3A_150, %select_n3A_143, %select_n3A_145 : vector<16xf32>, vector<16xi32>, vector<16xf32>, vector<16xi32>
      }
      %scan3A_125 = arith.constant 64 : i32
      %scan3A_126 = arith.constant 0 : i32
      %scan3A_127 = arith.constant 64 : i32
      %scan3A_128 = arith.addi %scan3A_126, %scan3A_127 : i32
      %scan3A_129 = arith.constant 1 : i32
      scf.for %scan3A_131 = %scan3A_126 to %scan3A_128 step %scan3A_129  : i32 {
        %eq3A = vector.broadcast %scan3A_131 : i32 to vector<16xi32>
        %eq3A_132 = arith.cmpi eq, %scan3A_124#1, %eq3A : vector<16xi32>
        %eq3A_133 = vector.broadcast %scan3A_131 : i32 to vector<16xi32>
        %eq3A_134 = arith.cmpi eq, %scan3A_124#3, %eq3A_133 : vector<16xi32>
        %jit3A = arith.constant 1.000000e+00 : f32
        %jit3A_135 = arith.constant 0.000000e+00 : f32
        %broadcast_in_dim3A_136 = vector.broadcast %jit3A : f32 to vector<16xf32>
        %broadcast_in_dim3A_137 = vector.broadcast %jit3A_135 : f32 to vector<16xf32>
        %select_n3A = arith.select %eq3A_134, %broadcast_in_dim3A_136, %broadcast_in_dim3A_137 : vector<16xi1>, vector<16xf32>
        %jit3A_138 = arith.constant 1.000000e+00 : f32
        %broadcast_in_dim3A_139 = vector.broadcast %jit3A_138 : f32 to vector<16xf32>
        %select_n3A_140 = arith.select %eq3A_132, %broadcast_in_dim3A_139, %select_n3A : vector<16xi1>, vector<16xf32>
        %swap3A = arith.index_cast %scan3A_131 : i32 to index
        %swap3A_141 = arith.constant 112 : index
        %swap3A_142 = tpu.vector_load %arg5[%swap3A, %swap3A_141] {strides = array<i32>} : memref<64x128xf32, #tpu.memory_space<vmem>>, vector<1x16xf32>,
        %swap3A_143 = vector.shape_cast %swap3A_142 : vector<1x16xf32> to vector<16xf32>
        %swap3A_144 = vector.shape_cast %select_n3A_140 : vector<16xf32> to vector<1x16xf32>
        tpu.vector_store %arg5[%swap3A, %swap3A_141], %swap3A_144 {strides = array<i32>} : memref<64x128xf32, #tpu.memory_space<vmem>>, vector<1x16xf32>,
      }
      %scan3A_130 = arith.constant 64 : i32
      "tpu.region"() ({
        %run_scoped3A = tpu.sem_alloc : memref<!tpu.dma_semaphore, #tpu.memory_space<semaphore_mem>>
        %dma_start3A = arith.constant 0 : i32
        %dma_start3A_131 = tpu.memref_slice %arg3[%dma_start3A, %mul3A_2] : memref<64x2048xf32, #tpu.memory_space<hbm>> -> memref<64x128xf32, #tpu.memory_space<hbm>>
        %dma_start3A_132 = arith.constant 0 : i32
        %dma_start3A_133 = tpu.memref_slice %arg3[%dma_start3A_132, %mul3A_2] : memref<64x2048xf32, #tpu.memory_space<hbm>> -> memref<64x128xf32, #tpu.memory_space<hbm>>
        tpu.enqueue_dma source(%arg5 : memref<64x128xf32, #tpu.memory_space<vmem>>) target(%dma_start3A_133 : memref<64x128xf32, #tpu.memory_space<hbm>>) target_semaphore(%run_scoped3A : memref<!tpu.dma_semaphore, #tpu.memory_space<semaphore_mem>>)
        %dma_wait3A = arith.constant 0 : i32
        %dma_wait3A_134 = tpu.memref_slice %arg3[%dma_wait3A, %mul3A_2] : memref<64x2048xf32, #tpu.memory_space<hbm>> -> memref<64x128xf32, #tpu.memory_space<hbm>>
        %dma_wait3A_135 = arith.constant 0 : i32
        %dma_wait3A_136 = tpu.memref_slice %arg3[%dma_wait3A_135, %mul3A_2] : memref<64x2048xf32, #tpu.memory_space<hbm>> -> memref<64x128xf32, #tpu.memory_space<hbm>>
        tpu.wait_dma2 semaphore(%run_scoped3A : memref<!tpu.dma_semaphore, #tpu.memory_space<semaphore_mem>>) src(%arg5 : memref<64x128xf32, #tpu.memory_space<vmem>>) dst(%dma_wait3A_136 : memref<64x128xf32, #tpu.memory_space<hbm>>)
        tpu.yield
      }) : () -> ()
    } else {
    }
    return
  }
}

module attributes {stable_mosaic.version = 14 : i64} {
  func.func @_stage_a(%arg0: i32, %arg1: memref<256x768xf32, #tpu.memory_space<vmem>>, %arg2: memref<768x1024xf32, #tpu.memory_space<vmem>>, %arg3: memref<64x256xf32, #tpu.memory_space<vmem>>, %arg4: memref<768x1024xbf16, #tpu.memory_space<vmem>>) attributes {dimension_semantics = [#tpu.dimension_semantics<arbitrary>], iteration_bounds = array<i64: 8>, scalar_prefetch = 0 : i64, scratch_operands = 1 : i64, tpu.core_type = #tpu.core_type<tc>, window_params = [{transform_indices = @transform_0, window_bounds = array<i64: 256, 768>}, {pipeline_mode = #tpu.pipeline_mode<synchronous>, transform_indices = @transform_1, window_bounds = array<i64: 768, 1024>}, {transform_indices = @transform_2, window_bounds = array<i64: 64, 256>}]} {
    %eq3A = arith.constant 0 : i32
    %eq3A_0 = arith.cmpi eq, %arg0, %eq3A : i32
    %convert_element_type3A = arith.extui %eq3A_0 : i1 to i32
    %cond3A = arith.constant 0 : i32
    %cond3A_1 = arith.cmpi ne, %convert_element_type3A, %cond3A : i32
    scf.if %cond3A_1 {
      %get3A_59 = arith.constant 0 : index
      %get3A_60 = arith.constant 0 : index
      %get3A_61 = vector.load %arg2[%get3A_59, %get3A_60] : memref<768x1024xf32, #tpu.memory_space<vmem>>, vector<768x1024xf32>
      %mul3A_62 = arith.mulf %get3A_61, %get3A_61 : vector<768x1024xf32>
      %reduce_sum3A_63 = arith.constant dense<0.000000e+00> : vector<1024xf32>
      %reduce_sum3A_64 = vector.multi_reduction <add>, %mul3A_62, %reduce_sum3A_63 [0] : vector<768x1024xf32> to vector<1024xf32>
      %broadcast_in_dim3A_65 = vector.shape_cast %reduce_sum3A_64 : vector<1024xf32> to vector<1x1024xf32>
      %sqrt3A_66 = math.sqrt %broadcast_in_dim3A_65 : vector<1x1024xf32>
      %max3A_67 = arith.constant 9.99999993E-9 : f32
      %max3A_68 = vector.broadcast %max3A_67 : f32 to vector<1x1024xf32>
      %max3A_69 = arith.maximumf %sqrt3A_66, %max3A_68 : vector<1x1024xf32>
      %div3A_70 = arith.constant 1.000000e+00 : f32
      %div3A_71 = vector.broadcast %div3A_70 : f32 to vector<1x1024xf32>
      %div3A_72 = arith.divf %div3A_71, %max3A_69 : vector<1x1024xf32>
      %mul3A_73 = vector.broadcast %div3A_72 : vector<1x1024xf32> to vector<768x1024xf32>
      %mul3A_74 = arith.mulf %get3A_61, %mul3A_73 : vector<768x1024xf32>
      %convert_element_type3A_75 = arith.truncf %mul3A_74 : vector<768x1024xf32> to vector<768x1024xbf16>
      %swap3A_76 = arith.constant 0 : index
      %swap3A_77 = arith.constant 0 : index
      %swap3A_78 = vector.load %arg4[%swap3A_76, %swap3A_77] : memref<768x1024xbf16, #tpu.memory_space<vmem>>, vector<768x1024xbf16>
      tpu.vector_store %arg4[%swap3A_76, %swap3A_77], %convert_element_type3A_75 {strides = array<i32>} : memref<768x1024xbf16, #tpu.memory_space<vmem>>, vector<768x1024xbf16>,
    } else {
    }
    %get3A = arith.constant 0 : index
    %get3A_2 = arith.constant 0 : index
    %get3A_3 = vector.load %arg1[%get3A, %get3A_2] : memref<256x768xf32, #tpu.memory_space<vmem>>, vector<256x768xf32>
    %mul3A = arith.mulf %get3A_3, %get3A_3 : vector<256x768xf32>
    %reduce_sum3A = arith.constant dense<0.000000e+00> : vector<256xf32>
    %reduce_sum3A_4 = vector.multi_reduction <add>, %mul3A, %reduce_sum3A [1] : vector<256x768xf32> to vector<256xf32>
    %broadcast_in_dim3A = vector.shape_cast %reduce_sum3A_4 : vector<256xf32> to vector<256x1xf32>
    %sqrt3A = math.sqrt %broadcast_in_dim3A : vector<256x1xf32>
    %max3A = arith.constant 9.99999993E-9 : f32
    %max3A_5 = vector.broadcast %max3A : f32 to vector<256x1xf32>
    %max3A_6 = arith.maximumf %sqrt3A, %max3A_5 : vector<256x1xf32>
    %div3A = vector.broadcast %max3A_6 : vector<256x1xf32> to vector<256x768xf32>
    %div3A_7 = arith.divf %get3A_3, %div3A : vector<256x768xf32>
    %convert_element_type3A_8 = arith.truncf %div3A_7 : vector<256x768xf32> to vector<256x768xbf16>
    %get3A_9 = arith.constant 0 : index
    %get3A_10 = arith.constant 0 : index
    %get3A_11 = vector.load %arg4[%get3A_9, %get3A_10] : memref<768x1024xbf16, #tpu.memory_space<vmem>>, vector<768x1024xbf16>
    %dot_general3A = arith.constant dense<0.000000e+00> : vector<256x1024xf32>
    %dot_general3A_12 = tpu.matmul %convert_element_type3A_8, %get3A_11, %dot_general3A {dimension_numbers = #tpu.dot_dimension_numbers<[1], [0], [0], [1], [0, 0, 1, 1], [], []>, transpose_lhs_hint = false} : vector<256x768xbf16>, vector<768x1024xbf16>, vector<256x1024xf32> -> vector<256x1024xf32>
    %iota3A = tpu.iota {dimensions = array<i32: 0>} : vector<1024x64xi32>
    %jit3A = arith.constant 16 : i32
    %div3A_13 = vector.broadcast %jit3A : i32 to vector<1024x64xi32>
    %div3A_14 = arith.divsi %iota3A, %div3A_13 : vector<1024x64xi32>
    %sign3A = arith.constant 0 : i32
    %sign3A_15 = vector.broadcast %sign3A : i32 to vector<1024x64xi32>
    %sign3A_16 = arith.cmpi sgt, %iota3A, %sign3A_15 : vector<1024x64xi32>
    %sign3A_17 = arith.extui %sign3A_16 : vector<1024x64xi1> to vector<1024x64xi32>
    %sign3A_18 = arith.constant 0 : i32
    %sign3A_19 = vector.broadcast %sign3A_18 : i32 to vector<1024x64xi32>
    %sign3A_20 = arith.cmpi slt, %iota3A, %sign3A_19 : vector<1024x64xi32>
    %sign3A_21 = arith.extui %sign3A_20 : vector<1024x64xi1> to vector<1024x64xi32>
    %sign3A_22 = arith.subi %sign3A_17, %sign3A_21 : vector<1024x64xi32>
    %sign3A_23 = arith.constant 0 : i32
    %sign3A_24 = arith.cmpi sgt, %jit3A, %sign3A_23 : i32
    %sign3A_25 = arith.extui %sign3A_24 : i1 to i32
    %sign3A_26 = arith.constant 0 : i32
    %sign3A_27 = arith.cmpi slt, %jit3A, %sign3A_26 : i32
    %sign3A_28 = arith.extui %sign3A_27 : i1 to i32
    %sign3A_29 = arith.subi %sign3A_25, %sign3A_28 : i32
    %ne3A = vector.broadcast %sign3A_29 : i32 to vector<1024x64xi32>
    %ne3A_30 = arith.cmpi ne, %sign3A_22, %ne3A : vector<1024x64xi32>
    %rem3A = vector.broadcast %jit3A : i32 to vector<1024x64xi32>
    %rem3A_31 = arith.remsi %iota3A, %rem3A : vector<1024x64xi32>
    %ne3A_32 = arith.constant 0 : i32
    %ne3A_33 = vector.broadcast %ne3A_32 : i32 to vector<1024x64xi32>
    %ne3A_34 = arith.cmpi ne, %rem3A_31, %ne3A_33 : vector<1024x64xi32>
    %and3A = arith.andi %ne3A_30, %ne3A_34 : vector<1024x64xi1>
    %sub3A = arith.constant 1 : i32
    %sub3A_35 = vector.broadcast %sub3A : i32 to vector<1024x64xi32>
    %sub3A_36 = arith.subi %div3A_14, %sub3A_35 : vector<1024x64xi32>
    %select_n3A = arith.select %and3A, %sub3A_36, %div3A_14 : vector<1024x64xi1>, vector<1024x64xi32>
    %iota3A_37 = tpu.iota {dimensions = array<i32: 1>} : vector<1024x64xi32>
    %eq3A_38 = arith.cmpi eq, %select_n3A, %iota3A_37 : vector<1024x64xi32>
    %convert_element_type3A_39 = arith.extui %eq3A_38 : vector<1024x64xi1> to vector<1024x64xi32>
    %convert_element_type3A_40 = arith.sitofp %convert_element_type3A_39 : vector<1024x64xi32> to vector<1024x64xf32>
    %convert_element_type3A_41 = arith.truncf %convert_element_type3A_40 : vector<1024x64xf32> to vector<1024x64xbf16>
    %mul3A_42 = arith.mulf %dot_general3A_12, %dot_general3A_12 : vector<256x1024xf32>
    %convert_element_type3A_43 = arith.truncf %mul3A_42 : vector<256x1024xf32> to vector<256x1024xbf16>
    %convert_element_type3A_44 = arith.extf %convert_element_type3A_43 : vector<256x1024xbf16> to vector<256x1024xf32>
    %sub3A_45 = arith.subf %mul3A_42, %convert_element_type3A_44 : vector<256x1024xf32>
    %convert_element_type3A_46 = arith.truncf %sub3A_45 : vector<256x1024xf32> to vector<256x1024xbf16>
    %convert_element_type3A_47 = arith.extf %convert_element_type3A_46 : vector<256x1024xbf16> to vector<256x1024xf32>
    %sub3A_48 = arith.subf %sub3A_45, %convert_element_type3A_47 : vector<256x1024xf32>
    %convert_element_type3A_49 = arith.truncf %sub3A_48 : vector<256x1024xf32> to vector<256x1024xbf16>
    %dot_general3A_50 = arith.constant dense<0.000000e+00> : vector<64x256xf32>
    %dot_general3A_51 = tpu.matmul %convert_element_type3A_41, %convert_element_type3A_43, %dot_general3A_50 {dimension_numbers = #tpu.dot_dimension_numbers<[0], [1], [1], [0], [0, 1, 1, 0], [], []>, transpose_lhs_hint = false} : vector<1024x64xbf16>, vector<256x1024xbf16>, vector<64x256xf32> -> vector<64x256xf32>
    %dot_general3A_52 = arith.constant dense<0.000000e+00> : vector<64x256xf32>
    %dot_general3A_53 = tpu.matmul %convert_element_type3A_41, %convert_element_type3A_46, %dot_general3A_52 {dimension_numbers = #tpu.dot_dimension_numbers<[0], [1], [1], [0], [0, 1, 1, 0], [], []>, transpose_lhs_hint = false} : vector<1024x64xbf16>, vector<256x1024xbf16>, vector<64x256xf32> -> vector<64x256xf32>
    %add3A = arith.addf %dot_general3A_51, %dot_general3A_53 : vector<64x256xf32>
    %dot_general3A_54 = arith.constant dense<0.000000e+00> : vector<64x256xf32>
    %dot_general3A_55 = tpu.matmul %convert_element_type3A_41, %convert_element_type3A_49, %dot_general3A_54 {dimension_numbers = #tpu.dot_dimension_numbers<[0], [1], [1], [0], [0, 1, 1, 0], [], []>, transpose_lhs_hint = false} : vector<1024x64xbf16>, vector<256x1024xbf16>, vector<64x256xf32> -> vector<64x256xf32>
    %add3A_56 = arith.addf %add3A, %dot_general3A_55 : vector<64x256xf32>
    %swap3A = arith.constant 0 : index
    %swap3A_57 = arith.constant 0 : index
    %swap3A_58 = vector.load %arg3[%swap3A, %swap3A_57] : memref<64x256xf32, #tpu.memory_space<vmem>>, vector<64x256xf32>
    tpu.vector_store %arg3[%swap3A, %swap3A_57], %add3A_56 {strides = array<i32>} : memref<64x256xf32, #tpu.memory_space<vmem>>, vector<64x256xf32>,
    return
  }
  func.func @transform_0(%arg0: i32) -> (i32, i32) {
    %c0_i32 = arith.constant 0 : i32
    %c0_i32_0 = arith.constant 0 : i32
    return %arg0, %c0_i32 : i32, i32
  }
  func.func @transform_1(%arg0: i32) -> (i32, i32) {
    %c0_i32 = arith.constant 0 : i32
    %c0_i32_0 = arith.constant 0 : i32
    %c0_i32_1 = arith.constant 0 : i32
    return %c0_i32, %c0_i32_0 : i32, i32
  }
  func.func @transform_2(%arg0: i32) -> (i32, i32) {
    %c0_i32 = arith.constant 0 : i32
    %c0_i32_0 = arith.constant 0 : i32
    return %c0_i32, %arg0 : i32, i32
  }
}

module attributes {stable_mosaic.version = 14 : i64} {
  func.func @_stage_b(%arg0: i32, %arg1: memref<256x768xf32, #tpu.memory_space<vmem>>, %arg2: memref<768x1024xf32, #tpu.memory_space<vmem>>, %arg3: memref<768x1024xf32, #tpu.memory_space<vmem>>, %arg4: memref<1x1024xf32, #tpu.memory_space<vmem>>, %arg5: memref<64x256xf32, #tpu.memory_space<vmem>>, %arg6: memref<64x256xf32, #tpu.memory_space<vmem>>, %arg7: memref<256x768xf32, #tpu.memory_space<vmem>>, %arg8: memref<8xf32, #tpu.memory_space<smem>>, %arg9: memref<768x1024xbf16, #tpu.memory_space<vmem>>, %arg10: memref<768x1024xbf16, #tpu.memory_space<vmem>>, %arg11: memref<64x1xf32, #tpu.memory_space<vmem>>, %arg12: memref<64x1xf32, #tpu.memory_space<vmem>>, %arg13: memref<8xf32, #tpu.memory_space<smem>>) attributes {dimension_semantics = [#tpu.dimension_semantics<arbitrary>], iteration_bounds = array<i64: 8>, scalar_prefetch = 0 : i64, scratch_operands = 5 : i64, tpu.core_type = #tpu.core_type<tc>, window_params = [{transform_indices = @transform_0, window_bounds = array<i64: 256, 768>}, {pipeline_mode = #tpu.pipeline_mode<synchronous>, transform_indices = @transform_1, window_bounds = array<i64: 768, 1024>}, {pipeline_mode = #tpu.pipeline_mode<synchronous>, transform_indices = @transform_2, window_bounds = array<i64: 768, 1024>}, {pipeline_mode = #tpu.pipeline_mode<synchronous>, transform_indices = @transform_3, window_bounds = array<i64: 1, 1024>}, {transform_indices = @transform_4, window_bounds = array<i64: 64, 256>}, {transform_indices = @transform_5, window_bounds = array<i64: 64, 256>}, {transform_indices = @transform_6, window_bounds = array<i64: 256, 768>}, {transform_indices = @transform_7, window_bounds = array<i64: 8>}]} {
    %eq3A = arith.constant 0 : i32
    %eq3A_0 = arith.cmpi eq, %arg0, %eq3A : i32
    %convert_element_type3A = arith.extui %eq3A_0 : i1 to i32
    %cond3A = arith.constant 0 : i32
    %cond3A_1 = arith.cmpi ne, %convert_element_type3A, %cond3A : i32
    scf.if %cond3A_1 {
      %get3A_151 = arith.constant 0 : index
      %get3A_152 = arith.constant 0 : index
      %get3A_153 = vector.load %arg2[%get3A_151, %get3A_152] : memref<768x1024xf32, #tpu.memory_space<vmem>>, vector<768x1024xf32>
      %get3A_154 = arith.constant 0 : index
      %get3A_155 = arith.constant 0 : index
      %get3A_156 = vector.load %arg3[%get3A_154, %get3A_155] : memref<768x1024xf32, #tpu.memory_space<vmem>>, vector<768x1024xf32>
      %get3A_157 = arith.constant 0 : index
      %get3A_158 = arith.constant 0 : index
      %get3A_159 = vector.load %arg4[%get3A_157, %get3A_158] : memref<1x1024xf32, #tpu.memory_space<vmem>>, vector<1x1024xf32>
      %mul3A_160 = arith.mulf %get3A_153, %get3A_153 : vector<768x1024xf32>
      %reduce_sum3A_161 = arith.constant dense<0.000000e+00> : vector<1024xf32>
      %reduce_sum3A_162 = vector.multi_reduction <add>, %mul3A_160, %reduce_sum3A_161 [0] : vector<768x1024xf32> to vector<1024xf32>
      %broadcast_in_dim3A_163 = vector.shape_cast %reduce_sum3A_162 : vector<1024xf32> to vector<1x1024xf32>
      %sqrt3A_164 = math.sqrt %broadcast_in_dim3A_163 : vector<1x1024xf32>
      %max3A_165 = arith.constant 9.99999993E-9 : f32
      %max3A_166 = vector.broadcast %max3A_165 : f32 to vector<1x1024xf32>
      %max3A_167 = arith.maximumf %sqrt3A_164, %max3A_166 : vector<1x1024xf32>
      %div3A_168 = arith.constant 1.000000e+00 : f32
      %div3A_169 = vector.broadcast %div3A_168 : f32 to vector<1x1024xf32>
      %div3A_170 = arith.divf %div3A_169, %max3A_167 : vector<1x1024xf32>
      %mul3A_171 = arith.mulf %get3A_156, %get3A_156 : vector<768x1024xf32>
      %reduce_sum3A_172 = arith.constant dense<0.000000e+00> : vector<1024xf32>
      %reduce_sum3A_173 = vector.multi_reduction <add>, %mul3A_171, %reduce_sum3A_172 [0] : vector<768x1024xf32> to vector<1024xf32>
      %broadcast_in_dim3A_174 = vector.shape_cast %reduce_sum3A_173 : vector<1024xf32> to vector<1x1024xf32>
      %mul3A_175 = arith.mulf %get3A_159, %get3A_159 : vector<1x1024xf32>
      %add3A_176 = arith.addf %broadcast_in_dim3A_174, %mul3A_175 : vector<1x1024xf32>
      %sqrt3A_177 = math.sqrt %add3A_176 : vector<1x1024xf32>
      %max3A_178 = arith.constant 9.99999993E-9 : f32
      %max3A_179 = vector.broadcast %max3A_178 : f32 to vector<1x1024xf32>
      %max3A_180 = arith.maximumf %sqrt3A_177, %max3A_179 : vector<1x1024xf32>
      %div3A_181 = arith.constant 1.000000e+00 : f32
      %div3A_182 = vector.broadcast %div3A_181 : f32 to vector<1x1024xf32>
      %div3A_183 = arith.divf %div3A_182, %max3A_180 : vector<1x1024xf32>
      %mul3A_184 = vector.broadcast %div3A_170 : vector<1x1024xf32> to vector<768x1024xf32>
      %mul3A_185 = arith.mulf %get3A_153, %mul3A_184 : vector<768x1024xf32>
      %convert_element_type3A_186 = arith.truncf %mul3A_185 : vector<768x1024xf32> to vector<768x1024xbf16>
      %swap3A_187 = arith.constant 0 : index
      %swap3A_188 = arith.constant 0 : index
      %swap3A_189 = vector.load %arg9[%swap3A_187, %swap3A_188] : memref<768x1024xbf16, #tpu.memory_space<vmem>>, vector<768x1024xbf16>
      tpu.vector_store %arg9[%swap3A_187, %swap3A_188], %convert_element_type3A_186 {strides = array<i32>} : memref<768x1024xbf16, #tpu.memory_space<vmem>>, vector<768x1024xbf16>,
      %mul3A_190 = vector.broadcast %div3A_183 : vector<1x1024xf32> to vector<768x1024xf32>
      %mul3A_191 = arith.mulf %get3A_156, %mul3A_190 : vector<768x1024xf32>
      %convert_element_type3A_192 = arith.truncf %mul3A_191 : vector<768x1024xf32> to vector<768x1024xbf16>
      %swap3A_193 = arith.constant 0 : index
      %swap3A_194 = arith.constant 0 : index
      %swap3A_195 = vector.load %arg10[%swap3A_193, %swap3A_194] : memref<768x1024xbf16, #tpu.memory_space<vmem>>, vector<768x1024xbf16>
      tpu.vector_store %arg10[%swap3A_193, %swap3A_194], %convert_element_type3A_192 {strides = array<i32>} : memref<768x1024xbf16, #tpu.memory_space<vmem>>, vector<768x1024xbf16>,
      %broadcast_in_dim3A_196 = arith.constant 0.000000e+00 : f32
      %broadcast_in_dim3A_197 = vector.broadcast %broadcast_in_dim3A_196 : f32 to vector<64x1xf32>
      %swap3A_198 = arith.constant 0 : index
      %swap3A_199 = arith.constant 0 : index
      %swap3A_200 = vector.load %arg11[%swap3A_198, %swap3A_199] : memref<64x1xf32, #tpu.memory_space<vmem>>, vector<64x1xf32>
      tpu.vector_store %arg11[%swap3A_198, %swap3A_199], %broadcast_in_dim3A_197 {strides = array<i32>} : memref<64x1xf32, #tpu.memory_space<vmem>>, vector<64x1xf32>,
      %broadcast_in_dim3A_201 = arith.constant 0.000000e+00 : f32
      %broadcast_in_dim3A_202 = vector.broadcast %broadcast_in_dim3A_201 : f32 to vector<64x1xf32>
      %swap3A_203 = arith.constant 0 : index
      %swap3A_204 = arith.constant 0 : index
      %swap3A_205 = vector.load %arg12[%swap3A_203, %swap3A_204] : memref<64x1xf32, #tpu.memory_space<vmem>>, vector<64x1xf32>
      tpu.vector_store %arg12[%swap3A_203, %swap3A_204], %broadcast_in_dim3A_202 {strides = array<i32>} : memref<64x1xf32, #tpu.memory_space<vmem>>, vector<64x1xf32>,
      %swap3A_206 = arith.constant 0.000000e+00 : f32
      %swap3A_207 = arith.constant 0 : index
      %swap3A_208 = memref.load %arg13[%swap3A_207] : memref<8xf32, #tpu.memory_space<smem>>
      memref.store %swap3A_206, %arg13[%swap3A_207] : memref<8xf32, #tpu.memory_space<smem>>
      %swap3A_209 = arith.constant 0.000000e+00 : f32
      %swap3A_210 = arith.constant 1 : index
      %swap3A_211 = memref.load %arg13[%swap3A_210] : memref<8xf32, #tpu.memory_space<smem>>
      memref.store %swap3A_209, %arg13[%swap3A_210] : memref<8xf32, #tpu.memory_space<smem>>
      %swap3A_212 = arith.constant 0.000000e+00 : f32
      %swap3A_213 = arith.constant 2 : index
      %swap3A_214 = memref.load %arg13[%swap3A_213] : memref<8xf32, #tpu.memory_space<smem>>
      memref.store %swap3A_212, %arg13[%swap3A_213] : memref<8xf32, #tpu.memory_space<smem>>
      %swap3A_215 = arith.constant 0.000000e+00 : f32
      %swap3A_216 = arith.constant 3 : index
      %swap3A_217 = memref.load %arg13[%swap3A_216] : memref<8xf32, #tpu.memory_space<smem>>
      memref.store %swap3A_215, %arg13[%swap3A_216] : memref<8xf32, #tpu.memory_space<smem>>
    } else {
    }
    %get3A = arith.constant 0 : index
    %get3A_2 = arith.constant 0 : index
    %get3A_3 = vector.load %arg9[%get3A, %get3A_2] : memref<768x1024xbf16, #tpu.memory_space<vmem>>, vector<768x1024xbf16>
    %get3A_4 = arith.constant 0 : index
    %get3A_5 = arith.constant 0 : index
    %get3A_6 = vector.load %arg10[%get3A_4, %get3A_5] : memref<768x1024xbf16, #tpu.memory_space<vmem>>, vector<768x1024xbf16>
    %get3A_7 = arith.constant 0 : index
    %get3A_8 = arith.constant 0 : index
    %get3A_9 = vector.load %arg5[%get3A_7, %get3A_8] : memref<64x256xf32, #tpu.memory_space<vmem>>, vector<64x256xf32>
    %get3A_10 = arith.constant 0 : index
    %get3A_11 = arith.constant 0 : index
    %get3A_12 = vector.load %arg6[%get3A_10, %get3A_11] : memref<64x256xf32, #tpu.memory_space<vmem>>, vector<64x256xf32>
    %get3A_13 = arith.constant 0 : index
    %get3A_14 = arith.constant 0 : index
    %get3A_15 = vector.load %arg1[%get3A_13, %get3A_14] : memref<256x768xf32, #tpu.memory_space<vmem>>, vector<256x768xf32>
    %mul3A = arith.mulf %get3A_15, %get3A_15 : vector<256x768xf32>
    %reduce_sum3A = arith.constant dense<0.000000e+00> : vector<256xf32>
    %reduce_sum3A_16 = vector.multi_reduction <add>, %mul3A, %reduce_sum3A [1] : vector<256x768xf32> to vector<256xf32>
    %broadcast_in_dim3A = vector.shape_cast %reduce_sum3A_16 : vector<256xf32> to vector<256x1xf32>
    %sqrt3A = math.sqrt %broadcast_in_dim3A : vector<256x1xf32>
    %max3A = arith.constant 9.99999993E-9 : f32
    %max3A_17 = vector.broadcast %max3A : f32 to vector<256x1xf32>
    %max3A_18 = arith.maximumf %sqrt3A, %max3A_17 : vector<256x1xf32>
    %div3A = vector.broadcast %max3A_18 : vector<256x1xf32> to vector<256x768xf32>
    %div3A_19 = arith.divf %get3A_15, %div3A : vector<256x768xf32>
    %convert_element_type3A_20 = arith.truncf %div3A_19 : vector<256x768xf32> to vector<256x768xbf16>
    %dot_general3A = arith.constant dense<0.000000e+00> : vector<256x1024xf32>
    %dot_general3A_21 = tpu.matmul %convert_element_type3A_20, %get3A_3, %dot_general3A {dimension_numbers = #tpu.dot_dimension_numbers<[1], [0], [0], [1], [0, 0, 1, 1], [], []>, transpose_lhs_hint = false} : vector<256x768xbf16>, vector<768x1024xbf16>, vector<256x1024xf32> -> vector<256x1024xf32>
    %iota3A = tpu.iota {dimensions = array<i32: 1>} : vector<64x1024xi32>
    %jit3A = arith.constant 16 : i32
    %div3A_22 = vector.broadcast %jit3A : i32 to vector<64x1024xi32>
    %div3A_23 = arith.divsi %iota3A, %div3A_22 : vector<64x1024xi32>
    %sign3A = arith.constant 0 : i32
    %sign3A_24 = vector.broadcast %sign3A : i32 to vector<64x1024xi32>
    %sign3A_25 = arith.cmpi sgt, %iota3A, %sign3A_24 : vector<64x1024xi32>
    %sign3A_26 = arith.extui %sign3A_25 : vector<64x1024xi1> to vector<64x1024xi32>
    %sign3A_27 = arith.constant 0 : i32
    %sign3A_28 = vector.broadcast %sign3A_27 : i32 to vector<64x1024xi32>
    %sign3A_29 = arith.cmpi slt, %iota3A, %sign3A_28 : vector<64x1024xi32>
    %sign3A_30 = arith.extui %sign3A_29 : vector<64x1024xi1> to vector<64x1024xi32>
    %sign3A_31 = arith.subi %sign3A_26, %sign3A_30 : vector<64x1024xi32>
    %sign3A_32 = arith.constant 0 : i32
    %sign3A_33 = arith.cmpi sgt, %jit3A, %sign3A_32 : i32
    %sign3A_34 = arith.extui %sign3A_33 : i1 to i32
    %sign3A_35 = arith.constant 0 : i32
    %sign3A_36 = arith.cmpi slt, %jit3A, %sign3A_35 : i32
    %sign3A_37 = arith.extui %sign3A_36 : i1 to i32
    %sign3A_38 = arith.subi %sign3A_34, %sign3A_37 : i32
    %ne3A = vector.broadcast %sign3A_38 : i32 to vector<64x1024xi32>
    %ne3A_39 = arith.cmpi ne, %sign3A_31, %ne3A : vector<64x1024xi32>
    %rem3A = vector.broadcast %jit3A : i32 to vector<64x1024xi32>
    %rem3A_40 = arith.remsi %iota3A, %rem3A : vector<64x1024xi32>
    %ne3A_41 = arith.constant 0 : i32
    %ne3A_42 = vector.broadcast %ne3A_41 : i32 to vector<64x1024xi32>
    %ne3A_43 = arith.cmpi ne, %rem3A_40, %ne3A_42 : vector<64x1024xi32>
    %and3A = arith.andi %ne3A_39, %ne3A_43 : vector<64x1024xi1>
    %sub3A = arith.constant 1 : i32
    %sub3A_44 = vector.broadcast %sub3A : i32 to vector<64x1024xi32>
    %sub3A_45 = arith.subi %div3A_23, %sub3A_44 : vector<64x1024xi32>
    %select_n3A = arith.select %and3A, %sub3A_45, %div3A_23 : vector<64x1024xi1>, vector<64x1024xi32>
    %iota3A_46 = tpu.iota {dimensions = array<i32: 0>} : vector<64x1024xi32>
    %eq3A_47 = arith.cmpi eq, %select_n3A, %iota3A_46 : vector<64x1024xi32>
    %convert_element_type3A_48 = arith.extui %eq3A_47 : vector<64x1024xi1> to vector<64x1024xi32>
    %convert_element_type3A_49 = arith.sitofp %convert_element_type3A_48 : vector<64x1024xi32> to vector<64x1024xf32>
    %convert_element_type3A_50 = arith.truncf %convert_element_type3A_49 : vector<64x1024xf32> to vector<64x1024xbf16>
    %convert_element_type3A_51 = arith.truncf %get3A_12 : vector<64x256xf32> to vector<64x256xbf16>
    %dot_general3A_52 = arith.constant dense<0.000000e+00> : vector<256x1024xf32>
    %dot_general3A_53 = tpu.matmul %convert_element_type3A_51, %convert_element_type3A_50, %dot_general3A_52 {dimension_numbers = #tpu.dot_dimension_numbers<[0], [0], [1], [1], [0, 1, 1, 1], [], []>, transpose_lhs_hint = false} : vector<64x256xbf16>, vector<64x1024xbf16>, vector<256x1024xf32> -> vector<256x1024xf32>
    %convert_element_type3A_54 = arith.truncf %dot_general3A_21 : vector<256x1024xf32> to vector<256x1024xbf16>
    %convert_element_type3A_55 = arith.truncf %dot_general3A_53 : vector<256x1024xf32> to vector<256x1024xbf16>
    %mul3A_56 = arith.mulf %convert_element_type3A_54, %convert_element_type3A_55 : vector<256x1024xbf16>
    %dot_general3A_57 = arith.constant dense<0.000000e+00> : vector<256x768xf32>
    %dot_general3A_58 = tpu.matmul %mul3A_56, %get3A_3, %dot_general3A_57 {dimension_numbers = #tpu.dot_dimension_numbers<[1], [1], [0], [0], [0, 0, 1, 0], [], []>, transpose_lhs_hint = false} : vector<256x1024xbf16>, vector<768x1024xbf16>, vector<256x768xf32> -> vector<256x768xf32>
    %dot_general3A_59 = arith.constant dense<0.000000e+00> : vector<256x768xf32>
    %dot_general3A_60 = tpu.matmul %mul3A_56, %get3A_6, %dot_general3A_59 {dimension_numbers = #tpu.dot_dimension_numbers<[1], [1], [0], [0], [0, 0, 1, 0], [], []>, transpose_lhs_hint = false} : vector<256x1024xbf16>, vector<768x1024xbf16>, vector<256x768xf32> -> vector<256x768xf32>
    %convert_element_type3A_61 = arith.truncf %dot_general3A_60 : vector<256x768xf32> to vector<256x768xbf16>
    %dot_general3A_62 = arith.constant dense<0.000000e+00> : vector<256x1024xf32>
    %dot_general3A_63 = tpu.matmul %convert_element_type3A_61, %get3A_6, %dot_general3A_62 {dimension_numbers = #tpu.dot_dimension_numbers<[1], [0], [0], [1], [0, 0, 1, 1], [], []>, transpose_lhs_hint = false} : vector<256x768xbf16>, vector<768x1024xbf16>, vector<256x1024xf32> -> vector<256x1024xf32>
    %sub3A_64 = arith.subf %div3A_19, %dot_general3A_58 : vector<256x768xf32>
    %mul3A_65 = arith.constant 1.000000e+00 : f32
    %mul3A_66 = vector.broadcast %mul3A_65 : f32 to vector<256x768xf32>
    %mul3A_67 = arith.mulf %mul3A_66, %dot_general3A_60 : vector<256x768xf32>
    %add3A = arith.addf %div3A_19, %mul3A_67 : vector<256x768xf32>
    %mul3A_68 = arith.mulf %add3A, %add3A : vector<256x768xf32>
    %reduce_sum3A_69 = arith.constant dense<0.000000e+00> : vector<256xf32>
    %reduce_sum3A_70 = vector.multi_reduction <add>, %mul3A_68, %reduce_sum3A_69 [1] : vector<256x768xf32> to vector<256xf32>
    %broadcast_in_dim3A_71 = vector.shape_cast %reduce_sum3A_70 : vector<256xf32> to vector<256x1xf32>
    %sqrt3A_72 = math.sqrt %broadcast_in_dim3A_71 : vector<256x1xf32>
    %max3A_73 = arith.constant 9.99999993E-9 : f32
    %max3A_74 = vector.broadcast %max3A_73 : f32 to vector<256x1xf32>
    %max3A_75 = arith.maximumf %sqrt3A_72, %max3A_74 : vector<256x1xf32>
    %div3A_76 = vector.broadcast %max3A_75 : vector<256x1xf32> to vector<256x768xf32>
    %div3A_77 = arith.divf %add3A, %div3A_76 : vector<256x768xf32>
    %swap3A = arith.constant 0 : index
    %swap3A_78 = arith.constant 0 : index
    %swap3A_79 = vector.load %arg7[%swap3A, %swap3A_78] : memref<256x768xf32, #tpu.memory_space<vmem>>, vector<256x768xf32>
    tpu.vector_store %arg7[%swap3A, %swap3A_78], %div3A_77 {strides = array<i32>} : memref<256x768xf32, #tpu.memory_space<vmem>>, vector<256x768xf32>,
    %get3A_80 = arith.constant 0 : index
    %get3A_81 = arith.constant 0 : index
    %get3A_82 = vector.load %arg11[%get3A_80, %get3A_81] : memref<64x1xf32, #tpu.memory_space<vmem>>, vector<64x1xf32>
    %reduce_sum3A_83 = arith.constant dense<0.000000e+00> : vector<64xf32>
    %reduce_sum3A_84 = vector.multi_reduction <add>, %get3A_9, %reduce_sum3A_83 [1] : vector<64x256xf32> to vector<64xf32>
    %broadcast_in_dim3A_85 = vector.shape_cast %reduce_sum3A_84 : vector<64xf32> to vector<64x1xf32>
    %add3A_86 = arith.addf %get3A_82, %broadcast_in_dim3A_85 : vector<64x1xf32>
    %swap3A_87 = arith.constant 0 : index
    %swap3A_88 = arith.constant 0 : index
    %swap3A_89 = vector.load %arg11[%swap3A_87, %swap3A_88] : memref<64x1xf32, #tpu.memory_space<vmem>>, vector<64x1xf32>
    tpu.vector_store %arg11[%swap3A_87, %swap3A_88], %add3A_86 {strides = array<i32>} : memref<64x1xf32, #tpu.memory_space<vmem>>, vector<64x1xf32>,
    %get3A_90 = arith.constant 0 : index
    %get3A_91 = arith.constant 0 : index
    %get3A_92 = vector.load %arg12[%get3A_90, %get3A_91] : memref<64x1xf32, #tpu.memory_space<vmem>>, vector<64x1xf32>
    %reduce_sum3A_93 = arith.constant dense<0.000000e+00> : vector<64xf32>
    %reduce_sum3A_94 = vector.multi_reduction <add>, %get3A_12, %reduce_sum3A_93 [1] : vector<64x256xf32> to vector<64xf32>
    %broadcast_in_dim3A_95 = vector.shape_cast %reduce_sum3A_94 : vector<64xf32> to vector<64x1xf32>
    %add3A_96 = arith.addf %get3A_92, %broadcast_in_dim3A_95 : vector<64x1xf32>
    %swap3A_97 = arith.constant 0 : index
    %swap3A_98 = arith.constant 0 : index
    %swap3A_99 = vector.load %arg12[%swap3A_97, %swap3A_98] : memref<64x1xf32, #tpu.memory_space<vmem>>, vector<64x1xf32>
    tpu.vector_store %arg12[%swap3A_97, %swap3A_98], %add3A_96 {strides = array<i32>} : memref<64x1xf32, #tpu.memory_space<vmem>>, vector<64x1xf32>,
    %sub3A_100 = arith.subf %dot_general3A_63, %dot_general3A_21 : vector<256x1024xf32>
    %get3A_101 = arith.constant 0 : index
    %get3A_102 = memref.load %arg13[%get3A_101] : memref<8xf32, #tpu.memory_space<smem>>
    %mul3A_103 = arith.mulf %sub3A_64, %sub3A_64 : vector<256x768xf32>
    %reduce_sum3A_104 = vector.shape_cast %mul3A_103 : vector<256x768xf32> to vector<1x256x768xf32>
    %reduce_sum3A_105 = arith.constant dense<0.000000e+00> : vector<1xf32>
    %reduce_sum3A_106 = vector.multi_reduction <add>, %reduce_sum3A_104, %reduce_sum3A_105 [1, 2] : vector<1x256x768xf32> to vector<1xf32>
    %reduce_sum3A_107 = vector.shape_cast %reduce_sum3A_106 : vector<1xf32> to vector<1x1x1xf32>
    %reduce_sum3A_108 = vector.extract %reduce_sum3A_107[0, 0, 0] : f32 from vector<1x1x1xf32>
    %add3A_109 = arith.addf %get3A_102, %reduce_sum3A_108 : f32
    %swap3A_110 = arith.constant 0 : index
    %swap3A_111 = memref.load %arg13[%swap3A_110] : memref<8xf32, #tpu.memory_space<smem>>
    memref.store %add3A_109, %arg13[%swap3A_110] : memref<8xf32, #tpu.memory_space<smem>>
    %get3A_112 = arith.constant 1 : index
    %get3A_113 = memref.load %arg13[%get3A_112] : memref<8xf32, #tpu.memory_space<smem>>
    %mul3A_114 = arith.mulf %dot_general3A_58, %dot_general3A_58 : vector<256x768xf32>
    %reduce_sum3A_115 = vector.shape_cast %mul3A_114 : vector<256x768xf32> to vector<1x256x768xf32>
    %reduce_sum3A_116 = arith.constant dense<0.000000e+00> : vector<1xf32>
    %reduce_sum3A_117 = vector.multi_reduction <add>, %reduce_sum3A_115, %reduce_sum3A_116 [1, 2] : vector<1x256x768xf32> to vector<1xf32>
    %reduce_sum3A_118 = vector.shape_cast %reduce_sum3A_117 : vector<1xf32> to vector<1x1x1xf32>
    %reduce_sum3A_119 = vector.extract %reduce_sum3A_118[0, 0, 0] : f32 from vector<1x1x1xf32>
    %add3A_120 = arith.addf %get3A_113, %reduce_sum3A_119 : f32
    %swap3A_121 = arith.constant 1 : index
    %swap3A_122 = memref.load %arg13[%swap3A_121] : memref<8xf32, #tpu.memory_space<smem>>
    memref.store %add3A_120, %arg13[%swap3A_121] : memref<8xf32, #tpu.memory_space<smem>>
    %get3A_123 = arith.constant 2 : index
    %get3A_124 = memref.load %arg13[%get3A_123] : memref<8xf32, #tpu.memory_space<smem>>
    %mul3A_125 = arith.mulf %get3A_12, %get3A_9 : vector<64x256xf32>
    %reduce_sum3A_126 = vector.shape_cast %mul3A_125 : vector<64x256xf32> to vector<1x64x256xf32>
    %reduce_sum3A_127 = arith.constant dense<0.000000e+00> : vector<1xf32>
    %reduce_sum3A_128 = vector.multi_reduction <add>, %reduce_sum3A_126, %reduce_sum3A_127 [1, 2] : vector<1x64x256xf32> to vector<1xf32>
    %reduce_sum3A_129 = vector.shape_cast %reduce_sum3A_128 : vector<1xf32> to vector<1x1x1xf32>
    %reduce_sum3A_130 = vector.extract %reduce_sum3A_129[0, 0, 0] : f32 from vector<1x1x1xf32>
    %add3A_131 = arith.addf %get3A_124, %reduce_sum3A_130 : f32
    %swap3A_132 = arith.constant 2 : index
    %swap3A_133 = memref.load %arg13[%swap3A_132] : memref<8xf32, #tpu.memory_space<smem>>
    memref.store %add3A_131, %arg13[%swap3A_132] : memref<8xf32, #tpu.memory_space<smem>>
    %get3A_134 = arith.constant 3 : index
    %get3A_135 = memref.load %arg13[%get3A_134] : memref<8xf32, #tpu.memory_space<smem>>
    %mul3A_136 = arith.mulf %dot_general3A_53, %sub3A_100 : vector<256x1024xf32>
    %mul3A_137 = arith.mulf %mul3A_136, %sub3A_100 : vector<256x1024xf32>
    %reduce_sum3A_138 = vector.shape_cast %mul3A_137 : vector<256x1024xf32> to vector<1x256x1024xf32>
    %reduce_sum3A_139 = arith.constant dense<0.000000e+00> : vector<1xf32>
    %reduce_sum3A_140 = vector.multi_reduction <add>, %reduce_sum3A_138, %reduce_sum3A_139 [1, 2] : vector<1x256x1024xf32> to vector<1xf32>
    %reduce_sum3A_141 = vector.shape_cast %reduce_sum3A_140 : vector<1xf32> to vector<1x1x1xf32>
    %reduce_sum3A_142 = vector.extract %reduce_sum3A_141[0, 0, 0] : f32 from vector<1x1x1xf32>
    %add3A_143 = arith.addf %get3A_135, %reduce_sum3A_142 : f32
    %swap3A_144 = arith.constant 3 : index
    %swap3A_145 = memref.load %arg13[%swap3A_144] : memref<8xf32, #tpu.memory_space<smem>>
    memref.store %add3A_143, %arg13[%swap3A_144] : memref<8xf32, #tpu.memory_space<smem>>
    %eq3A_146 = arith.constant 7 : i32
    %eq3A_147 = arith.cmpi eq, %arg0, %eq3A_146 : i32
    %convert_element_type3A_148 = arith.extui %eq3A_147 : i1 to i32
    %cond3A_149 = arith.constant 0 : i32
    %cond3A_150 = arith.cmpi ne, %convert_element_type3A_148, %cond3A_149 : i32
    scf.if %cond3A_150 {
      %get3A_151 = arith.constant 0 : index
      %get3A_152 = memref.load %arg13[%get3A_151] : memref<8xf32, #tpu.memory_space<smem>>
      %div3A_153 = arith.constant 2.048000e+03 : f32
      %div3A_154 = arith.divf %get3A_152, %div3A_153 : f32
      %get3A_155 = arith.constant 1 : index
      %get3A_156 = memref.load %arg13[%get3A_155] : memref<8xf32, #tpu.memory_space<smem>>
      %div3A_157 = arith.constant 2.048000e+03 : f32
      %div3A_158 = arith.divf %get3A_156, %div3A_157 : f32
      %get3A_159 = arith.constant 2 : index
      %get3A_160 = memref.load %arg13[%get3A_159] : memref<8xf32, #tpu.memory_space<smem>>
      %div3A_161 = arith.constant 2.048000e+03 : f32
      %div3A_162 = arith.divf %get3A_160, %div3A_161 : f32
      %get3A_163 = arith.constant 3 : index
      %get3A_164 = memref.load %arg13[%get3A_163] : memref<8xf32, #tpu.memory_space<smem>>
      %mul3A_165 = arith.constant 2.048000e+03 : f32
      %mul3A_166 = arith.constant 3.200000e+01 : f32
      %mul3A_167 = arith.mulf %mul3A_165, %mul3A_166 : f32
      %div3A_168 = arith.divf %get3A_164, %mul3A_167 : f32
      %get3A_169 = arith.constant 0 : index
      %get3A_170 = arith.constant 0 : index
      %get3A_171 = vector.load %arg11[%get3A_169, %get3A_170] : memref<64x1xf32, #tpu.memory_space<vmem>>, vector<64x1xf32>
      %div3A_172 = arith.constant 2.048000e+03 : f32
      %div3A_173 = vector.broadcast %div3A_172 : f32 to vector<64x1xf32>
      %div3A_174 = arith.divf %get3A_171, %div3A_173 : vector<64x1xf32>
      %reduce_sum3A_175 = vector.shape_cast %div3A_174 : vector<64x1xf32> to vector<1x64x1xf32>
      %reduce_sum3A_176 = arith.constant dense<0.000000e+00> : vector<1xf32>
      %reduce_sum3A_177 = vector.multi_reduction <add>, %reduce_sum3A_175, %reduce_sum3A_176 [1, 2] : vector<1x64x1xf32> to vector<1xf32>
      %reduce_sum3A_178 = vector.shape_cast %reduce_sum3A_177 : vector<1xf32> to vector<1x1x1xf32>
      %reduce_sum3A_179 = vector.extract %reduce_sum3A_178[0, 0, 0] : f32 from vector<1x1x1xf32>
      %max3A_180 = arith.constant 9.99999993E-9 : f32
      %max3A_181 = arith.maximumf %reduce_sum3A_179, %max3A_180 : f32
      %div3A_182 = vector.broadcast %max3A_181 : f32 to vector<64x1xf32>
      %div3A_183 = arith.divf %div3A_174, %div3A_182 : vector<64x1xf32>
      %max3A_184 = arith.constant 9.99999993E-9 : f32
      %max3A_185 = vector.broadcast %max3A_184 : f32 to vector<64x1xf32>
      %max3A_186 = arith.maximumf %div3A_183, %max3A_185 : vector<64x1xf32>
      %log3A = math.log %max3A_186 : vector<64x1xf32>
      %mul3A_187 = arith.mulf %max3A_186, %log3A : vector<64x1xf32>
      %reduce_sum3A_188 = vector.shape_cast %mul3A_187 : vector<64x1xf32> to vector<1x64x1xf32>
      %reduce_sum3A_189 = arith.constant dense<0.000000e+00> : vector<1xf32>
      %reduce_sum3A_190 = vector.multi_reduction <add>, %reduce_sum3A_188, %reduce_sum3A_189 [1, 2] : vector<1x64x1xf32> to vector<1xf32>
      %reduce_sum3A_191 = vector.shape_cast %reduce_sum3A_190 : vector<1xf32> to vector<1x1x1xf32>
      %reduce_sum3A_192 = vector.extract %reduce_sum3A_191[0, 0, 0] : f32 from vector<1x1x1xf32>
      %neg3A = arith.constant 0.000000e+00 : f32
      %neg3A_193 = arith.subf %neg3A, %reduce_sum3A_192 : f32
      %log3A_194 = arith.constant 6.400000e+01 : f32
      %log3A_195 = math.log %log3A_194 : f32
      %div3A_196 = arith.divf %neg3A_193, %log3A_195 : f32
      %get3A_197 = arith.constant 0 : index
      %get3A_198 = arith.constant 0 : index
      %get3A_199 = vector.load %arg12[%get3A_197, %get3A_198] : memref<64x1xf32, #tpu.memory_space<vmem>>, vector<64x1xf32>
      %div3A_200 = arith.constant 2.000000e+00 : f32
      %div3A_201 = arith.constant 6.400000e+01 : f32
      %div3A_202 = arith.divf %div3A_200, %div3A_201 : f32
      %mul3A_203 = arith.constant 2.048000e+03 : f32
      %mul3A_204 = arith.mulf %div3A_202, %mul3A_203 : f32
      %mul3A_205 = arith.constant 1.000000e-01 : f32
      %mul3A_206 = arith.mulf %mul3A_205, %mul3A_204 : f32
      %le3A = vector.broadcast %mul3A_206 : f32 to vector<64x1xf32>
      %le3A_207 = arith.cmpf ole, %get3A_199, %le3A : vector<64x1xf32>
      %jit3A_208 = arith.constant 1.000000e+00 : f32
      %jit3A_209 = arith.constant 0.000000e+00 : f32
      %broadcast_in_dim3A_210 = vector.broadcast %jit3A_208 : f32 to vector<64x1xf32>
      %broadcast_in_dim3A_211 = vector.broadcast %jit3A_209 : f32 to vector<64x1xf32>
      %select_n3A_212 = arith.select %le3A_207, %broadcast_in_dim3A_210, %broadcast_in_dim3A_211 : vector<64x1xi1>, vector<64x1xf32>
      %reduce_sum3A_213 = vector.shape_cast %select_n3A_212 : vector<64x1xf32> to vector<1x64x1xf32>
      %reduce_sum3A_214 = arith.constant dense<0.000000e+00> : vector<1xf32>
      %reduce_sum3A_215 = vector.multi_reduction <add>, %reduce_sum3A_213, %reduce_sum3A_214 [1, 2] : vector<1x64x1xf32> to vector<1xf32>
      %reduce_sum3A_216 = vector.shape_cast %reduce_sum3A_215 : vector<1xf32> to vector<1x1x1xf32>
      %reduce_sum3A_217 = vector.extract %reduce_sum3A_216[0, 0, 0] : f32 from vector<1x1x1xf32>
      %mul3A_218 = arith.constant 0.00999999977 : f32
      %mul3A_219 = arith.mulf %mul3A_218, %mul3A_204 : f32
      %le3A_220 = vector.broadcast %mul3A_219 : f32 to vector<64x1xf32>
      %le3A_221 = arith.cmpf ole, %get3A_199, %le3A_220 : vector<64x1xf32>
      %jit3A_222 = arith.constant 1.000000e+00 : f32
      %jit3A_223 = arith.constant 0.000000e+00 : f32
      %broadcast_in_dim3A_224 = vector.broadcast %jit3A_222 : f32 to vector<64x1xf32>
      %broadcast_in_dim3A_225 = vector.broadcast %jit3A_223 : f32 to vector<64x1xf32>
      %select_n3A_226 = arith.select %le3A_221, %broadcast_in_dim3A_224, %broadcast_in_dim3A_225 : vector<64x1xi1>, vector<64x1xf32>
      %reduce_sum3A_227 = vector.shape_cast %select_n3A_226 : vector<64x1xf32> to vector<1x64x1xf32>
      %reduce_sum3A_228 = arith.constant dense<0.000000e+00> : vector<1xf32>
      %reduce_sum3A_229 = vector.multi_reduction <add>, %reduce_sum3A_227, %reduce_sum3A_228 [1, 2] : vector<1x64x1xf32> to vector<1xf32>
      %reduce_sum3A_230 = vector.shape_cast %reduce_sum3A_229 : vector<1xf32> to vector<1x1x1xf32>
      %reduce_sum3A_231 = vector.extract %reduce_sum3A_230[0, 0, 0] : f32 from vector<1x1x1xf32>
      %add3A_232 = arith.addf %div3A_154, %div3A_168 : f32
      %swap3A_233 = arith.constant 0 : index
      %swap3A_234 = memref.load %arg8[%swap3A_233] : memref<8xf32, #tpu.memory_space<smem>>
      memref.store %add3A_232, %arg8[%swap3A_233] : memref<8xf32, #tpu.memory_space<smem>>
      %swap3A_235 = arith.constant 1 : index
      %swap3A_236 = memref.load %arg8[%swap3A_235] : memref<8xf32, #tpu.memory_space<smem>>
      memref.store %div3A_154, %arg8[%swap3A_235] : memref<8xf32, #tpu.memory_space<smem>>
      %swap3A_237 = arith.constant 2 : index
      %swap3A_238 = memref.load %arg8[%swap3A_237] : memref<8xf32, #tpu.memory_space<smem>>
      memref.store %div3A_196, %arg8[%swap3A_237] : memref<8xf32, #tpu.memory_space<smem>>
      %swap3A_239 = arith.constant 3 : index
      %swap3A_240 = memref.load %arg8[%swap3A_239] : memref<8xf32, #tpu.memory_space<smem>>
      memref.store %div3A_162, %arg8[%swap3A_239] : memref<8xf32, #tpu.memory_space<smem>>
      %swap3A_241 = arith.constant 4 : index
      %swap3A_242 = memref.load %arg8[%swap3A_241] : memref<8xf32, #tpu.memory_space<smem>>
      memref.store %div3A_158, %arg8[%swap3A_241] : memref<8xf32, #tpu.memory_space<smem>>
      %swap3A_243 = arith.constant 5 : index
      %swap3A_244 = memref.load %arg8[%swap3A_243] : memref<8xf32, #tpu.memory_space<smem>>
      memref.store %reduce_sum3A_217, %arg8[%swap3A_243] : memref<8xf32, #tpu.memory_space<smem>>
      %swap3A_245 = arith.constant 6 : index
      %swap3A_246 = memref.load %arg8[%swap3A_245] : memref<8xf32, #tpu.memory_space<smem>>
      memref.store %reduce_sum3A_231, %arg8[%swap3A_245] : memref<8xf32, #tpu.memory_space<smem>>
    } else {
    }
    return
  }
  func.func @transform_0(%arg0: i32) -> (i32, i32) {
    %c0_i32 = arith.constant 0 : i32
    %c0_i32_0 = arith.constant 0 : i32
    return %arg0, %c0_i32 : i32, i32
  }
  func.func @transform_1(%arg0: i32) -> (i32, i32) {
    %c0_i32 = arith.constant 0 : i32
    %c0_i32_0 = arith.constant 0 : i32
    %c0_i32_1 = arith.constant 0 : i32
    return %c0_i32, %c0_i32_0 : i32, i32
  }
  func.func @transform_2(%arg0: i32) -> (i32, i32) {
    %c0_i32 = arith.constant 0 : i32
    %c0_i32_0 = arith.constant 0 : i32
    %c0_i32_1 = arith.constant 0 : i32
    return %c0_i32, %c0_i32_0 : i32, i32
  }
  func.func @transform_3(%arg0: i32) -> (i32, i32) {
    %c0_i32 = arith.constant 0 : i32
    %c0_i32_0 = arith.constant 0 : i32
    %c0_i32_1 = arith.constant 0 : i32
    return %c0_i32, %c0_i32_0 : i32, i32
  }
  func.func @transform_4(%arg0: i32) -> (i32, i32) {
    %c0_i32 = arith.constant 0 : i32
    %c0_i32_0 = arith.constant 0 : i32
    return %c0_i32, %arg0 : i32, i32
  }
  func.func @transform_5(%arg0: i32) -> (i32, i32) {
    %c0_i32 = arith.constant 0 : i32
    %c0_i32_0 = arith.constant 0 : i32
    return %c0_i32, %arg0 : i32, i32
  }
  func.func @transform_6(%arg0: i32) -> (i32, i32) {
    %c0_i32 = arith.constant 0 : i32
    %c0_i32_0 = arith.constant 0 : i32
    return %arg0, %c0_i32 : i32, i32
  }
  func.func @transform_7(%arg0: i32) -> i32 {
    %c0_i32 = arith.constant 0 : i32
    %c0_i32_0 = arith.constant 0 : i32
    return %c0_i32 : i32
  }
}

</mosaic_0001>

<sc_bundles>
// kernel: kernel.5.cloned.1.call-start
scs
__scs_entry_jumppad:
0x0: {  	(pc) =	sbr.rel $0x88, $3  }
0x1: {  	(tag) =	ssettag $0x0;
	lr =	simm.s32 $0x1  }
0x2: {  	[smem:$0x3F9E] =	sst lr;
	_ =	strace $0xD0000000  }
0x3: {  	_ = 	snop  }
0x4: {  	_ = 	snop  }
0x5: {  	_ = 	snop  }
0x6: {  	_ = 	snop  }
0x7: {  	_ = 	snop  }
__scs_overlays_trampoline_lowered:
0x8: {  	[smem:$0x3FAD] =	sst s0  }
0x9: {  	[smem:$0x3FAE] =	sst s1  }
0xa: {  	[smem:$0x3FAF] =	sst s2  }
0xb: {  	[smem:$0x3FB0] =	sst s3  }
0xc: {  	[smem:$0x3FB1] =	sst s4  }
0xd: {  	[smem:$0x3FB2] =	sst s5  }
0xe: {  	[smem:$0x3FB3] =	sst s6  }
0xf: {  	[smem:$0x3FB4] =	sst s7  }
0x10: {  	[smem:$0x3FB5] =	sst s8  }
0x11: {  	[smem:$0x3FB6] =	sst s9;
	s0 =	simm.s32 @!p0 $0x0  }
0x12: {  	s1 =	sld [smem:$0x3F9C];
	s0 =	simm.s32 @p0 $0x1  }
0x13: {  	[smem:$0x3FB7] =	sst s0;
	s0 =	simm.s32 @!p1 $0x0  }
0x14: {  	s2 =	sld [smem:$0x3F9B];
	s0 =	simm.s32 @p1 $0x1  }
0x15: {  	[smem:$0x3FB8] =	sst s0;
	s0 =	simm.s32 @!p2 $0x0  }
0x16: {  	s3 =	sld [smem:$0x3FDB];
	s0 =	simm.s32 @p2 $0x1  }
0x17: {  	s4 =	simm.s32 $0x1BF5;
	[smem:$0x3FBA] =	sst s0  }
0x18: {  	s0 =	sld [smem:$0x3F9D];
	_ =	swait.ge [sflag:s4], $0x0  }
0x19: {  	s7 =	sld [smem:$0x3F9E]  }
0x1a: {  	s8 =	sadd.s32 $0xFFFFE003, lr  }
0x1b: {  	s9 =	sadd.s32 $0xFFFFFEF7, lr;
	s5 =	simm.s32 $0xFFFFFFFF;
	p2 =	slt.u32 s8, $0xFFFFF086  }
0x1c: {  	p1 =	slt.u32 s9, $0xF7A;
	s5 =	simm.s32 @!p2 $0x0  }
0x1d: {  	s5 =	simm.s32 @p1 $0x1;
	p0 =	seq.s32 s7, s2  }
0x1e: {  	s7 =	smul.u32 @!p0 $0xF7A, s2;
	p2 =	seq.s32 @!p0 s5, $0x0  }
0x1f: {  	s9 =	smul.u32 $0xF7A, s1;
	s8 =	simm.s32 @!p0 $0x1BF5;
	p2 =	por !p2, p0  }
0x20: {  	[sflag:s8] =	ssyncset.s32 @!p0 $0xFFFFF086;
	s6 =	sadd.s32 @!p0 s3, s7;
	s7 =	simm.s32 @!p0 $0x108  }
0x21: {  	s3 =	sadd.s32 s3, s9;
	s6 =	sadd.s32 @!p0 $0x88, s6;
	s7 =	simm.s32 @p2 $0x1082  }
0x22: {  	[simem:s7], [sflag:s8] =	dma.local @!p0 [hbm:s6], $0xF7A  }
0x23: {  	s9 =	sor.u32 $0xD0000000, s2;
	s6 =	simm.s32 $0x108;
	_ =	swait.ge @!p0 [sflag:s8], $0x0  }
0x24: {  	s3 =	sadd.s32 $0x88, s3;
	s6 =	simm.s32 @!p1 $0x1082;
	[sflag:s4] =	ssyncset.s32 $0xFFFFF086  }
0x25: {  	[simem:s6], [sflag:s4] =	dma.local [hbm:s3], $0xF7A  }
0x26: {  	[smem:$0x3F9E] =	sst s1;
	(tag) =	ssettag s2;
	_ =	strace s9  }
0x27: {  	s1 =	sld [smem:$0x3FAE]  }
0x28: {  	s2 =	sld [smem:$0x3FAF]  }
0x29: {  	s4 =	sld [smem:$0x3FB1]  }
0x2a: {  	p0 =	seq.s32 s5, $0x0;
	s5 =	sld [smem:$0x3FB2]  }
0x2b: {  	s6 =	sld [smem:$0x3FB3]  }
0x2c: {  	s7 =	sld [smem:$0x3FB4]  }
0x2d: {  	s3 =	simm.s32 $0x108;
	s8 =	sld [smem:$0x3FB5]  }
0x2e: {  	s3 =	simm.s32 @!p0 $0x1082;
	s9 =	sld [smem:$0x3FB6]  }
0x2f: {  	lr =	sadd.s32 s0, s3;
	s0 =	sld [smem:$0x3FAD]  }
0x30: {  	s3 =	sld [smem:$0x3FB0]  }
0x31: {  	[smem:$0x3FB9] =	sst s10  }
0x32: {  	s10 =	sld [smem:$0x3FB7];
	_ =	sdelay $0x3  }
0x33: {  	p0 =	seq.s32 s10, $0x1;
	s10 =	sld [smem:$0x3FB9];
	_ =	sdelay $0x3  }
0x34: {  	[smem:$0x3FB9] =	sst s10  }
0x35: {  	s10 =	sld [smem:$0x3FB8];
	_ =	sdelay $0x3  }
0x36: {  	p1 =	seq.s32 s10, $0x1;
	s10 =	sld [smem:$0x3FB9];
	_ =	sdelay $0x3  }
0x37: {  	[smem:$0x3FB9] =	sst s10  }
0x38: {  	s10 =	sld [smem:$0x3FBA]  }
0x39: {  	_ = 	snop;
	(pc) =	sbr.ind lr, $3  }
0x3a: {  	_ = 	snop  }
0x3b: {  	_ = 	snop  }
0x3c: {  	p2 =	seq.s32 s10, $0x1;
	s10 =	sld [smem:$0x3FB9]  }
0x3d: {  	_ =	shalt  }
0x3e: {  	_ =	shalt  }
0x3f: {  	_ =	shalt  }
0x40: {  	_ =	shalt  }
0x41: {  	_ =	shalt  }
0x42: {  	_ =	shalt  }
0x43: {  	_ =	shalt  }
0x44: {  	_ =	shalt  }
0x45: {  	_ =	shalt  }
0x46: {  	_ =	shalt  }
0x47: {  	_ =	shalt  }
0x48: {  	_ =	shalt  }
0x49: {  	_ =	shalt  }
0x4a: {  	_ =	shalt  }
0x4b: {  	_ =	shalt  }
0x4c: {  	_ =	shalt  }
0x4d: {  	_ =	shalt  }
0x4e: {  	_ =	shalt  }
0x4f: {  	_ =	shalt  }
0x50: {  	_ =	shalt  }
0x51: {  	_ =	shalt  }
0x52: {  	_ =	shalt  }
0x53: {  	_ =	shalt  }
0x54: {  	_ =	shalt  }
0x55: {  	_ =	shalt  }
0x56: {  	_ =	shalt  }
0x57: {  	_ =	shalt  }
0x58: {  	_ =	shalt  }
0x59: {  	_ =	shalt  }
0x5a: {  	_ =	shalt  }
0x5b: {  	_ =	shalt  }
0x5c: {  	_ =	shalt  }
0x5d: {  	_ =	shalt  }
0x5e: {  	_ =	shalt  }
0x5f: {  	_ =	shalt  }
0x60: {  	_ =	shalt  }
0x61: {  	_ =	shalt  }
0x62: {  	_ =	shalt  }
0x63: {  	_ =	shalt  }
0x64: {  	_ =	shalt  }
0x65: {  	_ =	shalt  }
0x66: {  	_ =	shalt  }
0x67: {  	_ =	shalt  }
0x68: {  	_ =	shalt  }
0x69: {  	_ =	shalt  }
0x6a: {  	_ =	shalt  }
0x6b: {  	_ =	shalt  }
0x6c: {  	_ =	shalt  }
0x6d: {  	_ =	shalt  }
0x6e: {  	_ =	shalt  }
0x6f: {  	_ =	shalt  }
0x70: {  	_ =	shalt  }
0x71: {  	_ =	shalt  }
0x72: {  	_ =	shalt  }
0x73: {  	_ =	shalt  }
0x74: {  	_ =	shalt  }
0x75: {  	_ =	shalt  }
0x76: {  	_ =	shalt  }
0x77: {  	_ =	shalt  }
0x78: {  	_ =	shalt  }
0x79: {  	_ =	shalt  }
0x7a: {  	_ =	shalt  }
0x7b: {  	_ =	shalt  }
0x7c: {  	_ =	shalt  }
0x7d: {  	_ =	shalt  }
0x7e: {  	_ =	shalt  }
0x7f: {  	_ =	shalt  }
0x80: {  	_ =	shalt  }
0x81: {  	_ =	shalt  }
0x82: {  	_ =	shalt  }
0x83: {  	_ =	shalt  }
0x84: {  	_ =	shalt  }
0x85: {  	_ =	shalt  }
0x86: {  	_ =	shalt  }
0x87: {  	_ =	shalt  }
.Lfunc_end0:
.L_simem_size_0:
called_computation_lowered:
.L_overlay_start_0:
0x88: {  	s2 =	sld [smem:$0x3FD9]  }
0x89: {  	s3 =	sld [smem:$0x3FFE];
	_ =	sdelay $0x1  }
0x8a: {  	s1 =	srdreg.scid  }
0x8b: {  	s0 =	sand.u32 $0x1, s1  }
0x8c: {  	s14 =	sshll.u32 s0, $0xA;
	s2 =	sadd.s32 s3, s2  }
0x8d: {  	s2 =	sadd.s32 s2, s14  }
0x8e: {  	[smem:$0x3FC5] =	sst s2  }
0x8f: {  	_ = 	snop  }
0x90: {  	s2 =	sld [smem:$0x3FD0];
	_ =	sdelay $0x2  }
0x91: {  	s15 =	simm.s32 $0xA;
	s4 =	simm.s32 $0x10  }
0x92: {  	[smem:s4], [sflag:s15] =	dma.local [hbm:s2], $0x1  }
0x93: {  	_ =	swait.eq [sflag:s15], $0x1  }
0x94: {  	[sflag:s15] =	ssyncset.done $0x0  }
0x95: {  	[sflag:s15] =	ssyncadd.s32 $0xFFFFFFFF  }
0x96: {  	s16 =	sld [smem:$0x10];
	(tm) =	ssettm $0x1  }
0x97: {  	s17 =	sld [smem:$0x3FFB];
	_ =	sdelay $0x3  }
0x98: {  	_ =	strace s17  }
0x99: {  	s3 =	sld [smem:$0x3FFC];
	_ =	sdelay $0x3  }
0x9a: {  	_ =	strace s3  }
0x9b: {  	s3 =	sld [smem:$0x3FFD];
	_ =	sdelay $0x3  }
0x9c: {  	_ =	strace s3  }
0x9d: {  	_ =	strace $0x8FFFFFFF  }
0x9e: {  	s18 =	sld [smem:$0x3FDB];
	_ =	sdelay $0x1  }
0x9f: {  	s19 =	simm.s32 $_scs_section_size  }
0xa0: {  	s5 =	simm.s32 $_size__tile_overlayer_lowered;
	s6 =	simm.s32 $_tile_overlayer_lowered  }
0xa1: {  	s22 =	simm.s32 $0x1BFF;
	s21 =	sshll.u32 s6, $0x1;
	s3 =	sadd.s32 s19, s18  }
0xa2: {  	s7 =	simm.s32 $0x0;
	s20 =	sshll.u32 s5, $0x1;
	s5 =	sadd.s32 s21, s3  }
0xa3: {  	[timem:s7], [sflag:s22] =	dma.local [hbm:s5], s20  }
0xa4: {  	_ =	swait.ge [sflag:s22], s20  }
0xa5: {  	s4 =	ssub.s32 $0x0, s20;
	[sflag:s22] =	ssyncset.done $0x0  }
0xa6: {  	[sflag:s22] =	ssyncadd.s32 s4;
	_ =	sdelay $0x1  }
0xa7: {  	s23 =	simm.s32 $0x1B8B  }
0xa8: {  	_ =	swait.ge [sflag:s23], $0x1  }
0xa9: {  	[sflag:s23] =	ssyncset.done $0x0  }
0xaa: {  	s25 =	simm.s32 $0x1B8E;
	s24 =	sld [smem:$0x3FFE];
	[sflag:s23] =	ssyncadd.s32 $0xFFFFFFFF  }
0xab: {  	s26 =	simm.s32 $execute0_lowered;
	[smem:$0x3FD2] =	sst s25  }
0xac: {  	s5 =	sshll.u32 s26, $0x1;
	_ =	strace $0x80000046;
	[dreg:$0x1] =	wrdreg $0xFFFFFFFF  }
0xad: {  	s28 =	simm.s32 $_size_execute0_lowered;
	s3 =	sadd.s32 s3, s5;
	[dreg:$0x0] =	wrdreg $0x0  }
0xae: {  	s5 =	sshll.u32 s28, $0x1;
	[dreg:$0x2] =	wrdreg s3  }
0xaf: {  	[dreg:$0x3] =	wrdreg s5  }
0xb0: {  	[dreg:$0x4] =	wrdreg $0xC0  }
0xb1: {  	_ =	task [dreg:s7], $0x5FFFF  }
0xb2: {  	[dreg:$0x1] =	wrdreg $0xFFFFFFFF  }
0xb3: {  	[dreg:$0x0] =	wrdreg $0x60  }
0xb4: {  	[dreg:$0x2] =	wrdreg s16  }
0xb5: {  	[dreg:$0x3] =	wrdreg s24  }
0xb6: {  	[dreg:$0x4] =	wrdreg $0x9  }
0xb7: {  	_ =	task.clear_ibuf [dreg:s7], $0x5FFFF;
	_ =	strace $0x90000046  }
0xb8: {  	s29 =	simm.s32 $0x9;
	_ =	strace $0x80000048  }
0xb9: {  	_ =	swait.ge [sflag:s29], $0x1  }
0xba: {  	[sflag:s29] =	ssyncadd.s32 $0xFFFFFFFF  }
0xbb: {  	_ =	strace $0x90000048  }
0xbc: {  	_ =	sfence  }
0xbd: {  	s30 =	sld [smem:$0x0];
	_ =	sdelay $0x2  }
0xbe: {  	s31 =	sshll.u32 s1, $0xD;
	s1 =	sshrl.u32 s1, $0x2  }
0xbf: {  	s3 =	sand.u32 $0x4000, s31;
	s1 =	sadd.s32 s1, s30  }
0xc0: {  	s0 =	sor.u32 s3, s0;
	s1 =	sshll.u32 s1, $0x11  }
0xc1: {  	s0 =	sor.u32 s1, s0  }
0xc2: {  	s0 =	sadd.s32 $0x8F2B, s0  }
0xc3: {  	[sflag:s0] =	ssyncadd.remote.s32 $0x1  }
0xc4: {  	_ =	sfence.sel $0xFFFF  }
0xc5: {  	[dreg:$0x0] =	wrdreg $0xFFFFFFFF;
	(pc) =	sbr.abs _section_cstart, $3  }
0xc6: {  	[dreg:$0x1] =	wrdreg $0xFFFFFFFF  }
0xc7: {  	_ =	task.clear_ibuf [dreg:s7], $0x2FFFF;
	_ =	strace $0x9FFFFFFF  }
0xc8: {  	(tm) =	ssettm $0x7FFFFFFF  }
0xc9: {  	_ =	shalt  }
tec
execute0_lowered:
.L_overlay_start_1:
0x0: {  	(tag) =	ssettag $0x1  }
0x1: {  	s1 =	stileid.u32  }
0x2: {  	p0 =	sgt.u32 s1, $0x7  }
.Ltmp0:
0x3: {  	_ = 	snop;
	(pc) =	sbr.rel @p0 .LBB2_35-.Ltmp0, $4  }
0x4: {  	s4 =	rddreg [dreg:$0x0]  }
0x5: {  	s3 =	rddreg [dreg:$0x1];
	s2 =	simm.s32 $0x0  }
0x6: {  	[smem:$0x7FF] =	sst s2  }
0x7: {  	s0 =	rddreg [dreg:$0x2];
	_ =	strace $0x80000047  }
0x8: {  	s5 =	srdreg.scid  }
0x9: {  	s6 =	sshll.u32 s1, $0x8;
	s8 =	simm.s32 $0x1;
	s5 =	sand.u32 $0x1, s5  }
0xa: {  	s9 =	simm.s32 $0x2000;
	s7 =	sshll.u32 s5, $0x7;
	s5 =	ssub.s32 $0x2, s5  }
0xb: {  	s6 =	sor.u32 s7, s6;
	s31 =	sshrl.u32 s5, $0x1;
	s7 =	simm.s32 $0x4000  }
0xc: {  	s3 =	sadd.s32 s6, s3;
	s5 =	ssub.s32 s5, s31;
	s4 =	sadd.s32 s4, s6  }
0xd: {  	v0 =	vimm.f32 $0.0e+00;
	s6 =	simm.s32 $0x400;
	s3 =	sadd.s32 $0x1200, s3;
	s5 =	smax.u32 s5, $0x1  }
.LBB2_2:
0xe: {  	s10 =	simm.s32 $0x0  }
0xf: {  	[tilespmem:s10], [sflag:$0x1] =	stream.strided.gather [hbm4b:s4+s6], $0x2000, s7, s6, $0x38;
	[tilespmem:$0x4000] =	vst v63  }
0x10: {  	_ =	swait.ge [sflag:s8], $0x2000  }
0x11: {  	[sflag:s8] =	ssyncset.done $0x0  }
0x12: {  	[sflag:s8] =	ssyncadd.s32 $0xFFFFE000  }
0x13: {  	v3 =	vld [tilespmem:s10+$0x0];
	_ =	sdelay $0x3  }
0x14: {  	v5 =	vimm.f32 $-1.000000000e+00;
	v4 =	vimm.s32 $0x0  }
0x15: {  	s12 =	simm.s32 $0x1;
	s13 =	simm.s32 $0x80;
	s11 =	simm.s32 $0x0;
	v2 =	vimm.f32 $-1.000000000e+00;
	v1 =	vimm.s32 $0x0;
	vm0 =	vgt.f32 v3, v5  }
.LBB2_3:
0x16: {  	v6 =	vld [tilespmem:s13+$0x0];
	p0 =	sne.s32 s12, $0x3F;
	v5 =	vsel vm0, v3, v5;
	v4 =	vsel vm0, s11, v4;
	vm0 =	vgt.f32 v3, v2;
	s14 =	smov.u32 s12;
	s12 =	sadd.s32 $0x1, s12  }
.Ltmp1:
0x17: {  	v5 =	vsel vm0, v2, v5;
	v4 =	vsel vm0, v1, v4;
	v2 =	vsel vm0, v3, v2;
	(pc) =	sbr.rel @p0 .LBB2_3-.Ltmp1, $2  }
0x18: {  	v1 =	vsel vm0, s11, v1;
	s11 =	smov.u32 s14;
	_ =	sdelay $0x2  }
0x19: {  	s13 =	sadd.s32 $0x80, s13;
	vm0 =	vgt.f32 v6, v5;
	v3 =	vmov v6  }
0x1a: {  	v4 =	vsel vm0, s11, v4;
	vm15 =	vgt.f32 v3, v2  }
0x1b: {  	v2 =	vsel vm15, v1, v4;
	v1 =	vsel vm15, s11, v1;
	s11 =	simm.s32 $0x2000  }
.LBB2_5:
0x1c: {  	p0 =	sne.s32 s10, $0x3F  }
.Ltmp2:
0x1d: {  	_ = 	snop;
	(pc) =	sbr.rel @p0 .LBB2_5-.Ltmp2, $4  }
0x1e: {  	vm0 =	veq.s32 v1, s10;
	vm1 =	veq.s32 v2, s10  }
0x1f: {  	vm0 =	vmor vm0, vm1  }
0x20: {  	v3 =	vsel vm0, $0x3F800000, v0  }
0x21: {  	s10 =	sadd.s32 $0x1, s10;
	[tilespmem:s11+$0x0] =	vst v3;
	s11 =	sadd.s32 $0x80, s11  }
0x22: {  	s10 =	simm.s32 $0x10  }
0x23: {  	v3 =	vld [tilespmem:s10+$0x0];
	_ =	sdelay $0x3  }
0x24: {  	v5 =	vimm.f32 $-1.000000000e+00;
	v4 =	vimm.s32 $0x0;
	s12 =	simm.s32 $0x1  }
0x25: {  	s13 =	simm.s32 $0x90;
	s11 =	simm.s32 $0x0;
	v2 =	vimm.f32 $-1.000000000e+00;
	v1 =	vimm.s32 $0x0;
	s10 =	simm.s32 $0x0;
	vm0 =	vgt.f32 v3, v5  }
.LBB2_7:
0x26: {  	v6 =	vld [tilespmem:s13+$0x0];
	p0 =	sne.s32 s12, $0x3F;
	v5 =	vsel vm0, v3, v5;
	v4 =	vsel vm0, s11, v4;
	vm0 =	vgt.f32 v3, v2;
	s14 =	smov.u32 s12;
	s12 =	sadd.s32 $0x1, s12  }
.Ltmp3:
0x27: {  	v5 =	vsel vm0, v2, v5;
	v4 =	vsel vm0, v1, v4;
	v2 =	vsel vm0, v3, v2;
	(pc) =	sbr.rel @p0 .LBB2_7-.Ltmp3, $2  }
0x28: {  	v1 =	vsel vm0, s11, v1;
	s11 =	smov.u32 s14;
	_ =	sdelay $0x2  }
0x29: {  	s13 =	sadd.s32 $0x80, s13;
	vm0 =	vgt.f32 v6, v5;
	v3 =	vmov v6  }
0x2a: {  	v4 =	vsel vm0, s11, v4;
	vm15 =	vgt.f32 v3, v2  }
0x2b: {  	v2 =	vsel vm15, v1, v4;
	v1 =	vsel vm15, s11, v1;
	s11 =	simm.s32 $0x2010  }
.LBB2_9:
0x2c: {  	p0 =	sne.s32 s10, $0x3F  }
.Ltmp4:
0x2d: {  	_ = 	snop;
	(pc) =	sbr.rel @p0 .LBB2_9-.Ltmp4, $4  }
0x2e: {  	vm0 =	veq.s32 v1, s10;
	vm1 =	veq.s32 v2, s10  }
0x2f: {  	vm0 =	vmor vm0, vm1  }
0x30: {  	v3 =	vsel vm0, $0x3F800000, v0  }
0x31: {  	s10 =	sadd.s32 $0x1, s10;
	[tilespmem:s11+$0x0] =	vst v3;
	s11 =	sadd.s32 $0x80, s11  }
0x32: {  	s10 =	simm.s32 $0x20  }
0x33: {  	v3 =	vld [tilespmem:s10+$0x0];
	_ =	sdelay $0x3  }
0x34: {  	v5 =	vimm.f32 $-1.000000000e+00;
	v4 =	vimm.s32 $0x0;
	s12 =	simm.s32 $0x1  }
0x35: {  	s13 =	simm.s32 $0xA0;
	s11 =	simm.s32 $0x0;
	v2 =	vimm.f32 $-1.000000000e+00;
	v1 =	vimm.s32 $0x0;
	s10 =	simm.s32 $0x0;
	vm0 =	vgt.f32 v3, v5  }
.LBB2_11:
0x36: {  	v6 =	vld [tilespmem:s13+$0x0];
	p0 =	sne.s32 s12, $0x3F;
	v5 =	vsel vm0, v3, v5;
	v4 =	vsel vm0, s11, v4;
	vm0 =	vgt.f32 v3, v2;
	s14 =	smov.u32 s12;
	s12 =	sadd.s32 $0x1, s12  }
.Ltmp5:
0x37: {  	v5 =	vsel vm0, v2, v5;
	v4 =	vsel vm0, v1, v4;
	v2 =	vsel vm0, v3, v2;
	(pc) =	sbr.rel @p0 .LBB2_11-.Ltmp5, $2  }
0x38: {  	v1 =	vsel vm0, s11, v1;
	s11 =	smov.u32 s14;
	_ =	sdelay $0x2  }
0x39: {  	s13 =	sadd.s32 $0x80, s13;
	vm0 =	vgt.f32 v6, v5;
	v3 =	vmov v6  }
0x3a: {  	v4 =	vsel vm0, s11, v4;
	vm15 =	vgt.f32 v3, v2  }
0x3b: {  	v2 =	vsel vm15, v1, v4;
	v1 =	vsel vm15, s11, v1;
	s11 =	simm.s32 $0x2020  }
.LBB2_13:
0x3c: {  	p0 =	sne.s32 s10, $0x3F  }
.Ltmp6:
0x3d: {  	_ = 	snop;
	(pc) =	sbr.rel @p0 .LBB2_13-.Ltmp6, $4  }
0x3e: {  	vm0 =	veq.s32 v1, s10;
	vm1 =	veq.s32 v2, s10  }
0x3f: {  	vm0 =	vmor vm0, vm1  }
0x40: {  	v3 =	vsel vm0, $0x3F800000, v0  }
0x41: {  	s10 =	sadd.s32 $0x1, s10;
	[tilespmem:s11+$0x0] =	vst v3;
	s11 =	sadd.s32 $0x80, s11  }
0x42: {  	s10 =	simm.s32 $0x30  }
0x43: {  	v3 =	vld [tilespmem:s10+$0x0];
	_ =	sdelay $0x3  }
0x44: {  	v5 =	vimm.f32 $-1.000000000e+00;
	v4 =	vimm.s32 $0x0;
	s12 =	simm.s32 $0x1  }
0x45: {  	s13 =	simm.s32 $0xB0;
	s11 =	simm.s32 $0x0;
	v2 =	vimm.f32 $-1.000000000e+00;
	v1 =	vimm.s32 $0x0;
	s10 =	simm.s32 $0x0;
	vm0 =	vgt.f32 v3, v5  }
.LBB2_15:
0x46: {  	v6 =	vld [tilespmem:s13+$0x0];
	p0 =	sne.s32 s12, $0x3F;
	v5 =	vsel vm0, v3, v5;
	v4 =	vsel vm0, s11, v4;
	vm0 =	vgt.f32 v3, v2;
	s14 =	smov.u32 s12;
	s12 =	sadd.s32 $0x1, s12  }
.Ltmp7:
0x47: {  	v5 =	vsel vm0, v2, v5;
	v4 =	vsel vm0, v1, v4;
	v2 =	vsel vm0, v3, v2;
	(pc) =	sbr.rel @p0 .LBB2_15-.Ltmp7, $2  }
0x48: {  	v1 =	vsel vm0, s11, v1;
	s11 =	smov.u32 s14;
	_ =	sdelay $0x2  }
0x49: {  	s13 =	sadd.s32 $0x80, s13;
	vm0 =	vgt.f32 v6, v5;
	v3 =	vmov v6  }
0x4a: {  	v4 =	vsel vm0, s11, v4;
	vm15 =	vgt.f32 v3, v2  }
0x4b: {  	v2 =	vsel vm15, v1, v4;
	v1 =	vsel vm15, s11, v1;
	s11 =	simm.s32 $0x2030  }
.LBB2_17:
0x4c: {  	p0 =	sne.s32 s10, $0x3F  }
.Ltmp8:
0x4d: {  	_ = 	snop;
	(pc) =	sbr.rel @p0 .LBB2_17-.Ltmp8, $4  }
0x4e: {  	vm0 =	veq.s32 v1, s10;
	vm1 =	veq.s32 v2, s10  }
0x4f: {  	vm0 =	vmor vm0, vm1  }
0x50: {  	v3 =	vsel vm0, $0x3F800000, v0  }
0x51: {  	s10 =	sadd.s32 $0x1, s10;
	[tilespmem:s11+$0x0] =	vst v3;
	s11 =	sadd.s32 $0x80, s11  }
0x52: {  	s10 =	simm.s32 $0x40  }
0x53: {  	v3 =	vld [tilespmem:s10+$0x0];
	_ =	sdelay $0x3  }
0x54: {  	v5 =	vimm.f32 $-1.000000000e+00;
	v4 =	vimm.s32 $0x0;
	s12 =	simm.s32 $0x1  }
0x55: {  	s13 =	simm.s32 $0xC0;
	s11 =	simm.s32 $0x0;
	v2 =	vimm.f32 $-1.000000000e+00;
	v1 =	vimm.s32 $0x0;
	s10 =	simm.s32 $0x0;
	vm0 =	vgt.f32 v3, v5  }
.LBB2_19:
0x56: {  	v6 =	vld [tilespmem:s13+$0x0];
	p0 =	sne.s32 s12, $0x3F;
	v5 =	vsel vm0, v3, v5;
	v4 =	vsel vm0, s11, v4;
	vm0 =	vgt.f32 v3, v2;
	s14 =	smov.u32 s12;
	s12 =	sadd.s32 $0x1, s12  }
.Ltmp9:
0x57: {  	v5 =	vsel vm0, v2, v5;
	v4 =	vsel vm0, v1, v4;
	v2 =	vsel vm0, v3, v2;
	(pc) =	sbr.rel @p0 .LBB2_19-.Ltmp9, $2  }
0x58: {  	v1 =	vsel vm0, s11, v1;
	s11 =	smov.u32 s14;
	_ =	sdelay $0x2  }
0x59: {  	s13 =	sadd.s32 $0x80, s13;
	vm0 =	vgt.f32 v6, v5;
	v3 =	vmov v6  }
0x5a: {  	v4 =	vsel vm0, s11, v4;
	vm15 =	vgt.f32 v3, v2  }
0x5b: {  	v2 =	vsel vm15, v1, v4;
	v1 =	vsel vm15, s11, v1;
	s11 =	simm.s32 $0x2040  }
.LBB2_21:
0x5c: {  	p0 =	sne.s32 s10, $0x3F  }
.Ltmp10:
0x5d: {  	_ = 	snop;
	(pc) =	sbr.rel @p0 .LBB2_21-.Ltmp10, $4  }
0x5e: {  	vm0 =	veq.s32 v1, s10;
	vm1 =	veq.s32 v2, s10  }
0x5f: {  	vm0 =	vmor vm0, vm1  }
0x60: {  	v3 =	vsel vm0, $0x3F800000, v0  }
0x61: {  	s10 =	sadd.s32 $0x1, s10;
	[tilespmem:s11+$0x0] =	vst v3;
	s11 =	sadd.s32 $0x80, s11  }
0x62: {  	s10 =	simm.s32 $0x50  }
0x63: {  	v3 =	vld [tilespmem:s10+$0x0];
	_ =	sdelay $0x3  }
0x64: {  	v5 =	vimm.f32 $-1.000000000e+00;
	v4 =	vimm.s32 $0x0;
	s12 =	simm.s32 $0x1  }
0x65: {  	s13 =	simm.s32 $0xD0;
	s11 =	simm.s32 $0x0;
	v2 =	vimm.f32 $-1.000000000e+00;
	v1 =	vimm.s32 $0x0;
	s10 =	simm.s32 $0x0;
	vm0 =	vgt.f32 v3, v5  }
.LBB2_23:
0x66: {  	v6 =	vld [tilespmem:s13+$0x0];
	p0 =	sne.s32 s12, $0x3F;
	v5 =	vsel vm0, v3, v5;
	v4 =	vsel vm0, s11, v4;
	vm0 =	vgt.f32 v3, v2;
	s14 =	smov.u32 s12;
	s12 =	sadd.s32 $0x1, s12  }
.Ltmp11:
0x67: {  	v5 =	vsel vm0, v2, v5;
	v4 =	vsel vm0, v1, v4;
	v2 =	vsel vm0, v3, v2;
	(pc) =	sbr.rel @p0 .LBB2_23-.Ltmp11, $2  }
0x68: {  	v1 =	vsel vm0, s11, v1;
	s11 =	smov.u32 s14;
	_ =	sdelay $0x2  }
0x69: {  	s13 =	sadd.s32 $0x80, s13;
	vm0 =	vgt.f32 v6, v5;
	v3 =	vmov v6  }
0x6a: {  	v4 =	vsel vm0, s11, v4;
	vm15 =	vgt.f32 v3, v2  }
0x6b: {  	v2 =	vsel vm15, v1, v4;
	v1 =	vsel vm15, s11, v1;
	s11 =	simm.s32 $0x2050  }
.LBB2_25:
0x6c: {  	p0 =	sne.s32 s10, $0x3F  }
.Ltmp12:
0x6d: {  	_ = 	snop;
	(pc) =	sbr.rel @p0 .LBB2_25-.Ltmp12, $4  }
0x6e: {  	vm0 =	veq.s32 v1, s10;
	vm1 =	veq.s32 v2, s10  }
0x6f: {  	vm0 =	vmor vm0, vm1  }
0x70: {  	v3 =	vsel vm0, $0x3F800000, v0  }
0x71: {  	s10 =	sadd.s32 $0x1, s10;
	[tilespmem:s11+$0x0] =	vst v3;
	s11 =	sadd.s32 $0x80, s11  }
0x72: {  	s10 =	simm.s32 $0x60  }
0x73: {  	v3 =	vld [tilespmem:s10+$0x0];
	_ =	sdelay $0x3  }
0x74: {  	v5 =	vimm.f32 $-1.000000000e+00;
	v4 =	vimm.s32 $0x0;
	s12 =	simm.s32 $0x1  }
0x75: {  	s13 =	simm.s32 $0xE0;
	s11 =	simm.s32 $0x0;
	v2 =	vimm.f32 $-1.000000000e+00;
	v1 =	vimm.s32 $0x0;
	s10 =	simm.s32 $0x0;
	vm0 =	vgt.f32 v3, v5  }
.LBB2_27:
0x76: {  	v6 =	vld [tilespmem:s13+$0x0];
	p0 =	sne.s32 s12, $0x3F;
	v5 =	vsel vm0, v3, v5;
	v4 =	vsel vm0, s11, v4;
	vm0 =	vgt.f32 v3, v2;
	s14 =	smov.u32 s12;
	s12 =	sadd.s32 $0x1, s12  }
.Ltmp13:
0x77: {  	v5 =	vsel vm0, v2, v5;
	v4 =	vsel vm0, v1, v4;
	v2 =	vsel vm0, v3, v2;
	(pc) =	sbr.rel @p0 .LBB2_27-.Ltmp13, $2  }
0x78: {  	v1 =	vsel vm0, s11, v1;
	s11 =	smov.u32 s14;
	_ =	sdelay $0x2  }
0x79: {  	s13 =	sadd.s32 $0x80, s13;
	vm0 =	vgt.f32 v6, v5;
	v3 =	vmov v6  }
0x7a: {  	v4 =	vsel vm0, s11, v4;
	vm15 =	vgt.f32 v3, v2  }
0x7b: {  	v2 =	vsel vm15, v1, v4;
	v1 =	vsel vm15, s11, v1;
	s11 =	simm.s32 $0x2060  }
.LBB2_29:
0x7c: {  	p0 =	sne.s32 s10, $0x3F  }
.Ltmp14:
0x7d: {  	_ = 	snop;
	(pc) =	sbr.rel @p0 .LBB2_29-.Ltmp14, $4  }
0x7e: {  	vm0 =	veq.s32 v1, s10;
	vm1 =	veq.s32 v2, s10  }
0x7f: {  	vm0 =	vmor vm0, vm1  }
0x80: {  	v3 =	vsel vm0, $0x3F800000, v0  }
0x81: {  	s10 =	sadd.s32 $0x1, s10;
	[tilespmem:s11+$0x0] =	vst v3;
	s11 =	sadd.s32 $0x80, s11  }
0x82: {  	s10 =	simm.s32 $0x70  }
0x83: {  	v3 =	vld [tilespmem:s10+$0x0];
	_ =	sdelay $0x3  }
0x84: {  	v5 =	vimm.f32 $-1.000000000e+00;
	v4 =	vimm.s32 $0x0;
	s12 =	simm.s32 $0x1  }
0x85: {  	s13 =	simm.s32 $0xF0;
	s11 =	simm.s32 $0x0;
	v2 =	vimm.f32 $-1.000000000e+00;
	v1 =	vimm.s32 $0x0;
	s10 =	simm.s32 $0x0;
	vm0 =	vgt.f32 v3, v5  }
.LBB2_31:
0x86: {  	v6 =	vld [tilespmem:s13+$0x0];
	p0 =	sne.s32 s12, $0x3F;
	v5 =	vsel vm0, v3, v5;
	v4 =	vsel vm0, s11, v4;
	vm0 =	vgt.f32 v3, v2;
	s14 =	smov.u32 s12;
	s12 =	sadd.s32 $0x1, s12  }
.Ltmp15:
0x87: {  	v5 =	vsel vm0, v2, v5;
	v4 =	vsel vm0, v1, v4;
	v2 =	vsel vm0, v3, v2;
	(pc) =	sbr.rel @p0 .LBB2_31-.Ltmp15, $2  }
0x88: {  	v1 =	vsel vm0, s11, v1;
	s11 =	smov.u32 s14;
	_ =	sdelay $0x2  }
0x89: {  	s13 =	sadd.s32 $0x80, s13;
	vm0 =	vgt.f32 v6, v5;
	v3 =	vmov v6  }
0x8a: {  	v4 =	vsel vm0, s11, v4;
	vm15 =	vgt.f32 v3, v2  }
0x8b: {  	v2 =	vsel vm15, v1, v4;
	v1 =	vsel vm15, s11, v1  }
0x8c: {  	vm0 =	veq.s32 v1, s10;
	vm1 =	veq.s32 v2, s10  }
0x8d: {  	vm0 =	vmor vm0, vm1  }
0x8e: {  	s10 =	simm.s32 $0x2070;
	v3 =	vsel vm0, $0x3F800000, v0  }
0x8f: {  	s11 =	simm.s32 $0x1;
	[tilespmem:s10+$0x0] =	vst v3  }
.LBB2_33:
0x90: {  	p0 =	sne.s32 s11, $0x3F  }
.Ltmp16:
0x91: {  	_ = 	snop;
	(pc) =	sbr.rel @p0 .LBB2_33-.Ltmp16, $4  }
0x92: {  	vm0 =	veq.s32 v1, s11;
	vm1 =	veq.s32 v2, s11  }
0x93: {  	vm0 =	vmor vm0, vm1  }
0x94: {  	s10 =	sadd.s32 $0x80, s10;
	v3 =	vsel vm0, $0x3F800000, v0  }
0x95: {  	s11 =	sadd.s32 $0x1, s11;
	[tilespmem:s10+$0x0] =	vst v3  }
0x96: {  	s2 =	sadd.s32 $0x1, s2  }
0x97: {  	p0 =	sne.s32 s2, s5  }
.Ltmp17:
0x98: {  	_ = 	snop;
	(pc) =	sbr.rel @p0 .LBB2_2-.Ltmp17, $4  }
0x99: {  	[hbm4b:s3+s6] =	stream.strided.scatter [tilespmem:s9], [sflag:$0x1], $0x2000, s7, s6, $0x38;
	[tilespmem:$0x4000] =	vst v63  }
0x9a: {  	_ =	swait.ge [sflag:s8], $0x2000  }
0x9b: {  	[sflag:s8] =	ssyncset.done $0x0  }
0x9c: {  	[sflag:s8] =	ssyncadd.s32 $0xFFFFE000  }
.LBB2_35:
0x9d: {  	_ =	sfence.sel $0x180000  }
0x9e: {  	[bflag:$0x0] =	sbarrier.arrive $0xFFFF  }
0x9f: {  	p0 =	sne.s32 s1, $0x0;
	_ =	strace $0x90000047  }
0xa0: {  	s0 =	sadd.s32 @!p0 $0x100000, s0;
	[bflag:$0x2] =	sbarrier.arrive $0xFFFF  }
0xa1: {  	[sflag:s0] =	ssyncadd.tile.s32 @!p0 $0x1;
	_ =	shalt  }
.Lfunc_end2:
_tile_overlayer_lowered:
.L_overlay_start_2:
0xa2: {  	(tag) =	ssettag $0x2  }
0xa3: {  	s0 =	rddreg [dreg:$0x0];
	s2 =	stileid.u32  }
0xa4: {  	s1 =	rddreg [dreg:$0x1];
	p0 =	sne.s32 s2, $0x0  }
0xa5: {  	s3 =	rddreg [dreg:$0x2];
	[bflag:$0x3] =	sbarrier.arrive $0xFFFF;
	s2 =	simm.s32 @!p0 $0x1C01  }
0xa6: {  	[timem:s3], [sflag:s2] =	dma.local @!p0 [hbm:s0], s1  }
0xa7: {  	s0 =	simm.s32 @!p0 $0x1  }
0xa8: {  	_ =	swait.ge @!p0 [sflag:s0], s1  }
0xa9: {  	s1 =	ssub.s32 @!p0 $0x0, s1;
	[sflag:s0] =	ssyncset.done @!p0 $0x0  }
0xaa: {  	[sflag:s0] =	ssyncadd.s32 @!p0 s1  }
0xab: {  	[bflag:$0x3] =	sbarrier.arrive $0xFFFF  }
0xac: {  	_ =	shalt  }

</sc_bundles>
